<compile_context>
chip_gen: v7x
topology: tpu7x:2x2x1
jax: 0.10.2.dev20260603
libtpu: 0.0.44.dev20260713+nightly
codegen_flags: <defaults>
</compile_context>

<pallas_src>
import functools

import jax
import jax.numpy as jnp
from jax import lax
from jax.experimental import pallas as pl
from jax.experimental.pallas import tpu as pltpu
from jax.experimental.pallas import tpu_sc as plsc

B = 16
N = 8192
G = 256
K = 32
L = 16
NCHUNK = N // L
GPT = G // 2
CAP = 112
BUF = 160

_INF = float("inf")
_BIG = 1 << 30


def _sortkv(k, v):
  return plsc.sort_key_val(k, v)


def _merge32(ak, ai, bk, bi):
  rbk = lax.rev(bk, (0,))
  rbi = lax.rev(bi, (0,))
  m = ak <= rbk
  lok = jnp.where(m, ak, rbk)
  loi = jnp.where(m, ai, rbi)
  hik = jnp.where(m, rbk, ak)
  hii = jnp.where(m, rbi, ai)
  lok, loi = _sortkv(lok, loi)
  hik, hii = _sortkv(hik, hii)
  return lok, loi, hik, hii


def _topk_insert(rk0, ri0, rk1, ri1, ck, ci):
  ck, ci = _sortkv(ck, ci)
  rck = lax.rev(ck, (0,))
  rci = lax.rev(ci, (0,))
  m = rk1 <= rck
  lk = jnp.where(m, rk1, rck)
  li = jnp.where(m, ri1, rci)
  lk, li = _sortkv(lk, li)
  return _merge32(rk0, ri0, lk, li)


def _sc_body(xt_hbm, nn_hbm, p_hbm, c_hbm, x0, x1, x2, dists, cbuf, nnst,
             pst, bufk, bufi):
  cid = lax.axis_index("c")
  sid = lax.axis_index("s")
  batch = cid * 8 + lax.rem(sid, jnp.int32(8))
  half = sid // 8
  iota = lax.iota(jnp.int32, L)

  xbase = batch * (3 * N)
  pltpu.sync_copy(xt_hbm.at[pl.ds(xbase, N)], x0)
  pltpu.sync_copy(xt_hbm.at[pl.ds(xbase + N, N)], x1)
  pltpu.sync_copy(xt_hbm.at[pl.ds(xbase + 2 * N, N)], x2)

  def init_chunk(j, carry):
    dists[pl.ds(j * L, L)] = jnp.full((L,), _INF, jnp.float32)
    return carry

  lax.fori_loop(0, NCHUNK, init_chunk, jnp.int32(0))

  def fps_iter(i, far):
    fv = jnp.full((L,), far, jnp.int32)
    cx = plsc.load_gather(x0, [fv])
    cy = plsc.load_gather(x1, [fv])
    cz = plsc.load_gather(x2, [fv])
    cval = jnp.where(iota == 0, cx, jnp.where(iota == 1, cy, cz))
    plsc.store_scatter(cbuf, [i * 3 + iota], cval, mask=iota < 3)

    def chunk(j, carry):
      maxv, maxi = carry
      sl = pl.ds(j * L, L)
      dx = x0[sl] - cx
      dy = x1[sl] - cy
      dz = x2[sl] - cz
      d = (dx * dx + dy * dy) + dz * dz
      dn = jnp.minimum(dists[sl], d)
      dists[sl] = dn
      upd = dn > maxv
      maxv = jnp.where(upd, dn, maxv)
      maxi = jnp.where(upd, j * L + iota, maxi)
      return maxv, maxi

    maxv0 = jnp.full((L,), -_INF, jnp.float32)
    maxi0 = jnp.zeros((L,), jnp.int32)
    maxv, maxi = lax.fori_loop(0, NCHUNK, chunk, (maxv0, maxi0))
    gm = jnp.max(maxv)
    cand = jnp.where(maxv == gm, maxi, _BIG)
    return jnp.min(cand)

  lax.fori_loop(0, G, fps_iter, jnp.int32(0))

  def knn_group(g, carry):
    gg = half * GPT + g
    gv = jnp.full((L,), gg * 3, jnp.int32)
    cx = plsc.load_gather(cbuf, [gv])
    cy = plsc.load_gather(cbuf, [gv + 1])
    cz = plsc.load_gather(cbuf, [gv + 2])

    def dist(j):
      sl = pl.ds(j * L, L)
      dx = x0[sl] - cx
      dy = x1[sl] - cy
      dz = x2[sl] - cz
      return (dx * dx + dy * dy) + dz * dz

    c0k, c0i = _sortkv(dist(0), iota)
    c1k, c1i = _sortkv(dist(1), L + iota)
    rk0, ri0, rk1, ri1 = _merge32(c0k, c0i, c1k, c1i)

    def reselect(rk0, ri0, rk1, ri1, t, pos):
      nq = (pos + (L - 1)) // L

      def fold(q, r):
        k = bufk[pl.ds(q * L, L)]
        i2 = bufi[pl.ds(q * L, L)]
        k = jnp.where(iota < pos - q * L, k, _INF)
        return _topk_insert(*r, k, i2)

      rk0, ri0, rk1, ri1 = lax.fori_loop(0, nq, fold, (rk0, ri0, rk1, ri1))
      return rk0, ri0, rk1, ri1, jnp.max(rk1), jnp.int32(0)

    def chunk(j, carry):
      rk0, ri0, rk1, ri1, t, pos = carry
      d = dist(j)
      m = d < t

      def store(pos):
        cs = plsc.cumsum(m.astype(jnp.int32))
        tgt = pos + cs - 1
        plsc.store_scatter(bufk, [tgt], d, mask=m)
        plsc.store_scatter(bufi, [tgt], j * L + iota, mask=m)
        return pos + jnp.sum(m.astype(jnp.int32))

      pos = lax.cond(jnp.any(m), store, lambda p: p, pos)
      return lax.cond(pos >= CAP, reselect,
                      lambda *a: a, rk0, ri0, rk1, ri1, t, pos)

    carry0 = (rk0, ri0, rk1, ri1, jnp.max(rk1), jnp.int32(0))
    rk0, ri0, rk1, ri1, t, pos = lax.fori_loop(2, NCHUNK, chunk, carry0)
    rk0, ri0, rk1, ri1, t, pos = lax.cond(
        pos > 0, reselect, lambda *a: a, rk0, ri0, rk1, ri1, t, pos)

    nnst[pl.ds(g * K, L)] = ri0
    nnst[pl.ds(g * K + L, L)] = ri1
    iota3 = iota * 3
    for h, ri in ((0, ri0), (1, ri1)):
      off = g * (K * 3) + h * (L * 3)
      plsc.store_scatter(pst, [off + iota3], plsc.load_gather(x0, [ri]))
      plsc.store_scatter(pst, [off + iota3 + 1], plsc.load_gather(x1, [ri]))
      plsc.store_scatter(pst, [off + iota3 + 2], plsc.load_gather(x2, [ri]))
    return carry

  lax.fori_loop(0, GPT, knn_group, jnp.int32(0))

  rowbase = batch * G + half * GPT
  pltpu.sync_copy(nnst, nn_hbm.at[pl.ds(rowbase * K, GPT * K)])
  pltpu.sync_copy(pst, p_hbm.at[pl.ds(rowbase * K * 3, GPT * K * 3)])

  @pl.when(half == 0)
  def _():
    pltpu.sync_copy(cbuf, c_hbm.at[pl.ds(batch * G * 3, G * 3)])


def _sc_call(xt):
  mesh = plsc.VectorSubcoreMesh(core_axis_name="c", subcore_axis_name="s")
  f = pl.kernel(
      _sc_body,
      out_type=(
          jax.ShapeDtypeStruct((B * G * K,), jnp.int32),
          jax.ShapeDtypeStruct((B * G * K * 3,), jnp.float32),
          jax.ShapeDtypeStruct((B * G * 3,), jnp.float32),
      ),
      mesh=mesh,
      compiler_params=pltpu.CompilerParams(needs_layout_passes=False),
      scratch_types=[
          pltpu.VMEM((N,), jnp.float32),
          pltpu.VMEM((N,), jnp.float32),
          pltpu.VMEM((N,), jnp.float32),
          pltpu.VMEM((N,), jnp.float32),
          pltpu.VMEM((G * 3,), jnp.float32),
          pltpu.VMEM((GPT * K,), jnp.int32),
          pltpu.VMEM((GPT * K * 3,), jnp.float32),
          pltpu.VMEM((BUF,), jnp.float32),
          pltpu.VMEM((BUF,), jnp.int32),
      ],
  )
  return f(xt)


@jax.jit
def kernel(x):
  s = x.shape
  xr = x.reshape(-1, s[-2], s[-1])
  xt = xr.transpose(0, 2, 1).reshape(-1)
  nn, p, c = _sc_call(xt)
  p_out = p.reshape(*s[:-2], G, K, 3)
  c_out = c.reshape(*s[:-2], G, 3)
  nn_idx = nn.reshape(B, G, K)
  return (p_out, c_out, nn_idx)

# --- scband reference (transcript-rebuilt; emitter-appended) ---
"""Pipeline reference for scband-group-fps-6511170420988 (READ-ONLY COPY).

The authoritative reference and input builder live on the scoring server;
editing this copy changes nothing except your own understanding.
"""

import jax, jax.numpy as jnp
import numpy as np

NUM_GROUP = 256
NUM_POINT = 32


def setup_inputs(seed: int = 0) -> dict:
    key = jax.random.key(seed)
    x = jax.random.normal(key, (16, 8192, 3), dtype=jnp.float32)
    return {"x": x}


def _fps_indices(x, K):
    # farthest point sampling indices; x: [B, N, 3]
    B, N, _ = x.shape
    dists0 = jnp.full((B, N), jnp.inf, dtype=x.dtype)
    farthest0 = jnp.zeros((B,), dtype=jnp.int32)
    idx0 = jnp.zeros((B, K), dtype=jnp.int32)

    def body(i, state):
        dists, farthest, idx = state
        idx = idx.at[:, i].set(farthest)
        centroid = jnp.take_along_axis(x, farthest[:, None, None].astype(jnp.int32), axis=1)  # [B,1,3]
        d = jnp.sum((x - centroid) ** 2, axis=-1)  # [B,N]
        dists = jnp.minimum(dists, d)
        farthest = jnp.argmax(dists, axis=-1).astype(jnp.int32)
        return (dists, farthest, idx)

    _, _, idx = jax.lax.fori_loop(0, K, body, (dists0, farthest0, idx0))
    return idx


def _gather_points(x, idx):
    # x: [B, N, 3], idx: [B, ...] -> [B, ..., 3]
    return jax.vmap(lambda xb, ib: xb[ib])(x, idx)


def _knn_points(c, x, K):
    # c: [B, G, 3], x: [B, N, 3]
    # squared distances [B, G, N]
    d = jnp.sum((c[:, :, None, :] - x[:, None, :, :]) ** 2, axis=-1)
    neg_d, nn_idx = jax.lax.top_k(-d, K)  # sorted ascending by distance
    dists = -neg_d
    p = _gather_points(x, nn_idx)  # [B, G, K, 3]
    return dists, nn_idx, p


def reference(x):
    s = x.shape
    xr = x.reshape(-1, s[-2], s[-1])  # [B, N, 3]
    # sample_farthest_points (indices are non-differentiable)
    idx_fps = _fps_indices(jax.lax.stop_gradient(xr), NUM_GROUP)
    c = _gather_points(xr, idx_fps)  # [B, G, 3]
    dists, nn_idx, p = _knn_points(c, xr, NUM_POINT)
    c_out = c.reshape(*s[:-2], *c.shape[1:])
    p_out = p.reshape(*s[:-2], *p.shape[1:])
    return (p_out, c_out, nn_idx)

if __name__ == "__main__":
    import jax
    _d = setup_inputs()
    print(jax.jit(kernel)(*tuple(_d.values())))

</pallas_src>

<mosaic_0001>
#map = affine_map<(d0, d1) -> (0)>
module attributes {stable_mosaic.version = 14 : i64} {
  func.func @_sc_body(%arg0: i32, %arg1: i32, %arg2: memref<393216xf32, #tpu.memory_space<hbm>>, %arg3: memref<131072xi32, #tpu.memory_space<hbm>>, %arg4: memref<393216xf32, #tpu.memory_space<hbm>>, %arg5: memref<12288xf32, #tpu.memory_space<hbm>>, %arg6: memref<8192xf32, #tpu.memory_space<vmem>>, %arg7: memref<8192xf32, #tpu.memory_space<vmem>>, %arg8: memref<8192xf32, #tpu.memory_space<vmem>>, %arg9: memref<8192xf32, #tpu.memory_space<vmem>>, %arg10: memref<768xf32, #tpu.memory_space<vmem>>, %arg11: memref<4096xi32, #tpu.memory_space<vmem>>, %arg12: memref<12288xf32, #tpu.memory_space<vmem>>, %arg13: memref<160xf32, #tpu.memory_space<vmem>>, %arg14: memref<160xi32, #tpu.memory_space<vmem>>) attributes {dimension_semantics = [#tpu.dimension_semantics<core_parallel>, #tpu.dimension_semantics<subcore_parallel>], iteration_bounds = array<i64: 2, 16>, scalar_prefetch = 0 : i64, scratch_operands = 9 : i64, tpu.core_type = #tpu.core_type<sc_vector_subcore>, window_params = [{transform_indices = #map}, {transform_indices = #map}, {transform_indices = #map}, {transform_indices = #map}]} {
    %mul3A = arith.constant 8 : i32
    %mul3A_0 = arith.muli %arg0, %mul3A : i32
    %rem3A = arith.constant 8 : i32
    %rem3A_1 = arith.remsi %arg1, %rem3A : i32
    %add3A = arith.addi %mul3A_0, %rem3A_1 : i32
    %jit3A = arith.constant 8 : i32
    %div3A = arith.divsi %arg1, %jit3A : i32
    %sign3A = arith.constant 0 : i32
    %sign3A_2 = arith.cmpi sgt, %arg1, %sign3A : i32
    %sign3A_3 = arith.extui %sign3A_2 : i1 to i32
    %sign3A_4 = arith.constant 0 : i32
    %sign3A_5 = arith.cmpi slt, %arg1, %sign3A_4 : i32
    %sign3A_6 = arith.extui %sign3A_5 : i1 to i32
    %sign3A_7 = arith.subi %sign3A_3, %sign3A_6 : i32
    %sign3A_8 = arith.constant 0 : i32
    %sign3A_9 = arith.cmpi sgt, %jit3A, %sign3A_8 : i32
    %sign3A_10 = arith.extui %sign3A_9 : i1 to i32
    %sign3A_11 = arith.constant 0 : i32
    %sign3A_12 = arith.cmpi slt, %jit3A, %sign3A_11 : i32
    %sign3A_13 = arith.extui %sign3A_12 : i1 to i32
    %sign3A_14 = arith.subi %sign3A_10, %sign3A_13 : i32
    %ne3A = arith.cmpi ne, %sign3A_7, %sign3A_14 : i32
    %rem3A_15 = arith.remsi %arg1, %jit3A : i32
    %ne3A_16 = arith.constant 0 : i32
    %ne3A_17 = arith.cmpi ne, %rem3A_15, %ne3A_16 : i32
    %and3A = arith.andi %ne3A, %ne3A_17 : i1
    %sub3A = arith.constant 1 : i32
    %sub3A_18 = arith.subi %div3A, %sub3A : i32
    %select_n3A = arith.select %and3A, %sub3A_18, %div3A : i32
    %iota3A = tpu.iota {dimensions = array<i32: 0>} : vector<16xi32>
    %mul3A_19 = arith.constant 24576 : i32
    %mul3A_20 = arith.muli %add3A, %mul3A_19 : i32
    "tpu.region"() ({
      %run_scoped3A = tpu.sem_alloc : memref<!tpu.dma_semaphore, #tpu.memory_space<semaphore_mem>>
      %dma_start3A = tpu.memref_slice %arg2[%mul3A_20] : memref<393216xf32, #tpu.memory_space<hbm>> -> memref<8192xf32, #tpu.memory_space<hbm>>
      %dma_start3A_56 = tpu.memref_slice %arg2[%mul3A_20] : memref<393216xf32, #tpu.memory_space<hbm>> -> memref<8192xf32, #tpu.memory_space<hbm>>
      tpu.enqueue_dma source(%dma_start3A_56 : memref<8192xf32, #tpu.memory_space<hbm>>) target(%arg6 : memref<8192xf32, #tpu.memory_space<vmem>>) target_semaphore(%run_scoped3A : memref<!tpu.dma_semaphore, #tpu.memory_space<semaphore_mem>>)
      %dma_wait3A = tpu.memref_slice %arg2[%mul3A_20] : memref<393216xf32, #tpu.memory_space<hbm>> -> memref<8192xf32, #tpu.memory_space<hbm>>
      %dma_wait3A_57 = tpu.memref_slice %arg2[%mul3A_20] : memref<393216xf32, #tpu.memory_space<hbm>> -> memref<8192xf32, #tpu.memory_space<hbm>>
      tpu.wait_dma2 semaphore(%run_scoped3A : memref<!tpu.dma_semaphore, #tpu.memory_space<semaphore_mem>>) src(%dma_wait3A_57 : memref<8192xf32, #tpu.memory_space<hbm>>) dst(%arg6 : memref<8192xf32, #tpu.memory_space<vmem>>)
      tpu.yield
    }) : () -> ()
    %add3A_21 = arith.constant 8192 : i32
    %add3A_22 = arith.addi %mul3A_20, %add3A_21 : i32
    "tpu.region"() ({
      %run_scoped3A = tpu.sem_alloc : memref<!tpu.dma_semaphore, #tpu.memory_space<semaphore_mem>>
      %dma_start3A = tpu.memref_slice %arg2[%add3A_22] : memref<393216xf32, #tpu.memory_space<hbm>> -> memref<8192xf32, #tpu.memory_space<hbm>>
      %dma_start3A_56 = tpu.memref_slice %arg2[%add3A_22] : memref<393216xf32, #tpu.memory_space<hbm>> -> memref<8192xf32, #tpu.memory_space<hbm>>
      tpu.enqueue_dma source(%dma_start3A_56 : memref<8192xf32, #tpu.memory_space<hbm>>) target(%arg7 : memref<8192xf32, #tpu.memory_space<vmem>>) target_semaphore(%run_scoped3A : memref<!tpu.dma_semaphore, #tpu.memory_space<semaphore_mem>>)
      %dma_wait3A = tpu.memref_slice %arg2[%add3A_22] : memref<393216xf32, #tpu.memory_space<hbm>> -> memref<8192xf32, #tpu.memory_space<hbm>>
      %dma_wait3A_57 = tpu.memref_slice %arg2[%add3A_22] : memref<393216xf32, #tpu.memory_space<hbm>> -> memref<8192xf32, #tpu.memory_space<hbm>>
      tpu.wait_dma2 semaphore(%run_scoped3A : memref<!tpu.dma_semaphore, #tpu.memory_space<semaphore_mem>>) src(%dma_wait3A_57 : memref<8192xf32, #tpu.memory_space<hbm>>) dst(%arg7 : memref<8192xf32, #tpu.memory_space<vmem>>)
      tpu.yield
    }) : () -> ()
    %add3A_23 = arith.constant 16384 : i32
    %add3A_24 = arith.addi %mul3A_20, %add3A_23 : i32
    "tpu.region"() ({
      %run_scoped3A = tpu.sem_alloc : memref<!tpu.dma_semaphore, #tpu.memory_space<semaphore_mem>>
      %dma_start3A = tpu.memref_slice %arg2[%add3A_24] : memref<393216xf32, #tpu.memory_space<hbm>> -> memref<8192xf32, #tpu.memory_space<hbm>>
      %dma_start3A_56 = tpu.memref_slice %arg2[%add3A_24] : memref<393216xf32, #tpu.memory_space<hbm>> -> memref<8192xf32, #tpu.memory_space<hbm>>
      tpu.enqueue_dma source(%dma_start3A_56 : memref<8192xf32, #tpu.memory_space<hbm>>) target(%arg8 : memref<8192xf32, #tpu.memory_space<vmem>>) target_semaphore(%run_scoped3A : memref<!tpu.dma_semaphore, #tpu.memory_space<semaphore_mem>>)
      %dma_wait3A = tpu.memref_slice %arg2[%add3A_24] : memref<393216xf32, #tpu.memory_space<hbm>> -> memref<8192xf32, #tpu.memory_space<hbm>>
      %dma_wait3A_57 = tpu.memref_slice %arg2[%add3A_24] : memref<393216xf32, #tpu.memory_space<hbm>> -> memref<8192xf32, #tpu.memory_space<hbm>>
      tpu.wait_dma2 semaphore(%run_scoped3A : memref<!tpu.dma_semaphore, #tpu.memory_space<semaphore_mem>>) src(%dma_wait3A_57 : memref<8192xf32, #tpu.memory_space<hbm>>) dst(%arg8 : memref<8192xf32, #tpu.memory_space<vmem>>)
      tpu.yield
    }) : () -> ()
    %scan3A = arith.constant 0 : i32
    %scan3A_25 = arith.constant 0 : i32
    %scan3A_26 = arith.constant 512 : i32
    %scan3A_27 = arith.addi %scan3A_25, %scan3A_26 : i32
    %scan3A_28 = arith.constant 1 : i32
    scf.for %scan3A_56 = %scan3A_25 to %scan3A_27 step %scan3A_28  : i32 {
      %broadcast_in_dim3A = arith.constant 0x7F800000 : f32
      %broadcast_in_dim3A_57 = vector.broadcast %broadcast_in_dim3A : f32 to vector<16xf32>
      %mul3A_58 = arith.constant 16 : i32
      %mul3A_59 = arith.muli %scan3A_56, %mul3A_58 : i32
      %swap3A = arith.index_cast %mul3A_59 : i32 to index
      %swap3A_60 = tpu.vector_load %arg9[%swap3A] {strides = array<i32>} : memref<8192xf32, #tpu.memory_space<vmem>>, vector<16xf32>,
      tpu.vector_store %arg9[%swap3A], %broadcast_in_dim3A_57 {strides = array<i32>} : memref<8192xf32, #tpu.memory_space<vmem>>, vector<16xf32>,
    }
    %scan3A_29 = arith.constant 512 : i32
    %scan3A_30 = arith.constant 0 : i32
    %scan3A_31 = arith.constant 0 : i32
    %scan3A_32 = arith.constant 256 : i32
    %scan3A_33 = arith.addi %scan3A_31, %scan3A_32 : i32
    %scan3A_34 = arith.constant 1 : i32
    %scan3A_35 = scf.for %scan3A_56 = %scan3A_31 to %scan3A_33 step %scan3A_34 iter_args(%scan3A_57 = %scan3A_30) -> (i32)  : i32 {
      %broadcast_in_dim3A = vector.broadcast %scan3A_57 : i32 to vector<16xi32>
      %gather3A = tpu.vector_load_idx %arg6[%broadcast_in_dim3A] : memref<8192xf32, #tpu.memory_space<vmem>>[vector<16xi32>], vector<16xf32>,
      %gather3A_58 = tpu.vector_load_idx %arg7[%broadcast_in_dim3A] : memref<8192xf32, #tpu.memory_space<vmem>>[vector<16xi32>], vector<16xf32>,
      %gather3A_59 = tpu.vector_load_idx %arg8[%broadcast_in_dim3A] : memref<8192xf32, #tpu.memory_space<vmem>>[vector<16xi32>], vector<16xf32>,
      %eq3A_60 = arith.constant 0 : i32
      %eq3A_61 = vector.broadcast %eq3A_60 : i32 to vector<16xi32>
      %eq3A_62 = arith.cmpi eq, %iota3A, %eq3A_61 : vector<16xi32>
      %eq3A_63 = arith.constant 1 : i32
      %eq3A_64 = vector.broadcast %eq3A_63 : i32 to vector<16xi32>
      %eq3A_65 = arith.cmpi eq, %iota3A, %eq3A_64 : vector<16xi32>
      %select_n3A_66 = arith.select %eq3A_65, %gather3A_58, %gather3A_59 : vector<16xi1>, vector<16xf32>
      %select_n3A_67 = arith.select %eq3A_62, %gather3A, %select_n3A_66 : vector<16xi1>, vector<16xf32>
      %mul3A_68 = arith.constant 3 : i32
      %mul3A_69 = arith.muli %scan3A_56, %mul3A_68 : i32
      %add3A_70 = vector.broadcast %mul3A_69 : i32 to vector<16xi32>
      %add3A_71 = arith.addi %add3A_70, %iota3A : vector<16xi32>
      %lt3A = arith.constant 3 : i32
      %lt3A_72 = vector.broadcast %lt3A : i32 to vector<16xi32>
      %lt3A_73 = arith.cmpi slt, %iota3A, %lt3A_72 : vector<16xi32>
      tpu.vector_store_idx %arg10[%add3A_71], %select_n3A_67 masked %lt3A_73 : memref<768xf32, #tpu.memory_space<vmem>>[vector<16xi32>], vector<16xf32>, vector<16xi1>
      %broadcast_in_dim3A_74 = arith.constant 0xFF800000 : f32
      %broadcast_in_dim3A_75 = vector.broadcast %broadcast_in_dim3A_74 : f32 to vector<16xf32>
      %broadcast_in_dim3A_76 = arith.constant 0 : i32
      %broadcast_in_dim3A_77 = vector.broadcast %broadcast_in_dim3A_76 : i32 to vector<16xi32>
      %scan3A_78 = arith.constant 0 : i32
      %scan3A_79 = arith.constant 512 : i32
      %scan3A_80 = arith.addi %scan3A_78, %scan3A_79 : i32
      %scan3A_81 = arith.constant 1 : i32
      %scan3A_82:2 = scf.for %scan3A_99 = %scan3A_78 to %scan3A_80 step %scan3A_81 iter_args(%scan3A_100 = %broadcast_in_dim3A_75, %scan3A_101 = %broadcast_in_dim3A_77) -> (vector<16xf32>, vector<16xi32>)  : i32 {
        %mul3A_102 = arith.constant 16 : i32
        %mul3A_103 = arith.muli %scan3A_99, %mul3A_102 : i32
        %get3A = arith.index_cast %mul3A_103 : i32 to index
        %get3A_104 = tpu.vector_load %arg6[%get3A] {strides = array<i32>} : memref<8192xf32, #tpu.memory_space<vmem>>, vector<16xf32>,
        %sub3A_105 = arith.subf %get3A_104, %gather3A : vector<16xf32>
        %get3A_106 = arith.index_cast %mul3A_103 : i32 to index
        %get3A_107 = tpu.vector_load %arg7[%get3A_106] {strides = array<i32>} : memref<8192xf32, #tpu.memory_space<vmem>>, vector<16xf32>,
        %sub3A_108 = arith.subf %get3A_107, %gather3A_58 : vector<16xf32>
        %get3A_109 = arith.index_cast %mul3A_103 : i32 to index
        %get3A_110 = tpu.vector_load %arg8[%get3A_109] {strides = array<i32>} : memref<8192xf32, #tpu.memory_space<vmem>>, vector<16xf32>,
        %sub3A_111 = arith.subf %get3A_110, %gather3A_59 : vector<16xf32>
        %mul3A_112 = arith.mulf %sub3A_105, %sub3A_105 : vector<16xf32>
        %mul3A_113 = arith.mulf %sub3A_108, %sub3A_108 : vector<16xf32>
        %add3A_114 = arith.addf %mul3A_112, %mul3A_113 : vector<16xf32>
        %mul3A_115 = arith.mulf %sub3A_111, %sub3A_111 : vector<16xf32>
        %add3A_116 = arith.addf %add3A_114, %mul3A_115 : vector<16xf32>
        %get3A_117 = arith.index_cast %mul3A_103 : i32 to index
        %get3A_118 = tpu.vector_load %arg9[%get3A_117] {strides = array<i32>} : memref<8192xf32, #tpu.memory_space<vmem>>, vector<16xf32>,
        %min3A = arith.minimumf %get3A_118, %add3A_116 : vector<16xf32>
        %swap3A = arith.index_cast %mul3A_103 : i32 to index
        %swap3A_119 = tpu.vector_load %arg9[%swap3A] {strides = array<i32>} : memref<8192xf32, #tpu.memory_space<vmem>>, vector<16xf32>,
        tpu.vector_store %arg9[%swap3A], %min3A {strides = array<i32>} : memref<8192xf32, #tpu.memory_space<vmem>>, vector<16xf32>,
        %gt3A = arith.cmpf ogt, %min3A, %scan3A_100 : vector<16xf32>
        %select_n3A_120 = arith.select %gt3A, %min3A, %scan3A_100 : vector<16xi1>, vector<16xf32>
        %mul3A_121 = arith.constant 16 : i32
        %mul3A_122 = arith.muli %scan3A_99, %mul3A_121 : i32
        %add3A_123 = vector.broadcast %mul3A_122 : i32 to vector<16xi32>
        %add3A_124 = arith.addi %add3A_123, %iota3A : vector<16xi32>
        %select_n3A_125 = arith.select %gt3A, %add3A_124, %scan3A_101 : vector<16xi1>, vector<16xi32>
        scf.yield %select_n3A_120, %select_n3A_125 : vector<16xf32>, vector<16xi32>
      }
      %scan3A_83 = arith.constant 512 : i32
      %reduce_max3A = arith.constant true
      %reduce_max3A_84 = vector.broadcast %reduce_max3A : i1 to vector<16xi1>
      %reduce_max3A_85 = tpu.scan <max>, %scan3A_82#0 masked %reduce_max3A_84 : vector<16xf32>, vector<16xi1> -> vector<16xf32>
      %reduce_max3A_86 = vector.extract %reduce_max3A_85[15] : f32 from vector<16xf32>
      %eq3A_87 = vector.broadcast %reduce_max3A_86 : f32 to vector<16xf32>
      %eq3A_88 = arith.cmpf oeq, %scan3A_82#0, %eq3A_87 : vector<16xf32>
      %jit3A_89 = arith.constant 1073741824 : i32
      %broadcast_in_dim3A_90 = vector.broadcast %jit3A_89 : i32 to vector<16xi32>
      %select_n3A_91 = arith.select %eq3A_88, %scan3A_82#1, %broadcast_in_dim3A_90 : vector<16xi1>, vector<16xi32>
      %reduce_min3A = arith.constant true
      %reduce_min3A_92 = vector.broadcast %reduce_min3A : i1 to vector<16xi1>
      %reduce_min3A_93 = arith.constant -2147483648 : i32
      %reduce_min3A_94 = vector.broadcast %reduce_min3A_93 : i32 to vector<16xi32>
      %reduce_min3A_95 = arith.xori %select_n3A_91, %reduce_min3A_94 : vector<16xi32>
      %reduce_min3A_96 = tpu.scan <min>, %reduce_min3A_95 masked %reduce_min3A_92 : vector<16xi32>, vector<16xi1> -> vector<16xi32>
      %reduce_min3A_97 = arith.xori %reduce_min3A_96, %reduce_min3A_94 : vector<16xi32>
      %reduce_min3A_98 = vector.extract %reduce_min3A_97[15] : i32 from vector<16xi32>
      scf.yield %reduce_min3A_98 : i32
    }
    %scan3A_36 = arith.constant 256 : i32
    %scan3A_37 = arith.constant 0 : i32
    %scan3A_38 = arith.constant 0 : i32
    %scan3A_39 = arith.constant 128 : i32
    %scan3A_40 = arith.addi %scan3A_38, %scan3A_39 : i32
    %scan3A_41 = arith.constant 1 : i32
    scf.for %scan3A_56 = %scan3A_38 to %scan3A_40 step %scan3A_41  : i32 {
      %mul3A_57 = arith.constant 128 : i32
      %mul3A_58 = arith.muli %select_n3A, %mul3A_57 : i32
      %add3A_59 = arith.addi %mul3A_58, %scan3A_56 : i32
      %mul3A_60 = arith.constant 3 : i32
      %mul3A_61 = arith.muli %add3A_59, %mul3A_60 : i32
      %broadcast_in_dim3A = vector.broadcast %mul3A_61 : i32 to vector<16xi32>
      %gather3A = tpu.vector_load_idx %arg10[%broadcast_in_dim3A] : memref<768xf32, #tpu.memory_space<vmem>>[vector<16xi32>], vector<16xf32>,
      %add3A_62 = arith.constant 1 : i32
      %add3A_63 = vector.broadcast %add3A_62 : i32 to vector<16xi32>
      %add3A_64 = arith.addi %broadcast_in_dim3A, %add3A_63 : vector<16xi32>
      %gather3A_65 = tpu.vector_load_idx %arg10[%add3A_64] : memref<768xf32, #tpu.memory_space<vmem>>[vector<16xi32>], vector<16xf32>,
      %add3A_66 = arith.constant 2 : i32
      %add3A_67 = vector.broadcast %add3A_66 : i32 to vector<16xi32>
      %add3A_68 = arith.addi %broadcast_in_dim3A, %add3A_67 : vector<16xi32>
      %gather3A_69 = tpu.vector_load_idx %arg10[%add3A_68] : memref<768xf32, #tpu.memory_space<vmem>>[vector<16xi32>], vector<16xf32>,
      %get3A = arith.constant 0 : index
      %get3A_70 = tpu.vector_load %arg6[%get3A] {strides = array<i32>} : memref<8192xf32, #tpu.memory_space<vmem>>, vector<16xf32>,
      %sub3A_71 = arith.subf %get3A_70, %gather3A : vector<16xf32>
      %get3A_72 = arith.constant 0 : index
      %get3A_73 = tpu.vector_load %arg7[%get3A_72] {strides = array<i32>} : memref<8192xf32, #tpu.memory_space<vmem>>, vector<16xf32>,
      %sub3A_74 = arith.subf %get3A_73, %gather3A_65 : vector<16xf32>
      %get3A_75 = arith.constant 0 : index
      %get3A_76 = tpu.vector_load %arg8[%get3A_75] {strides = array<i32>} : memref<8192xf32, #tpu.memory_space<vmem>>, vector<16xf32>,
      %sub3A_77 = arith.subf %get3A_76, %gather3A_69 : vector<16xf32>
      %mul3A_78 = arith.mulf %sub3A_71, %sub3A_71 : vector<16xf32>
      %mul3A_79 = arith.mulf %sub3A_74, %sub3A_74 : vector<16xf32>
      %add3A_80 = arith.addf %mul3A_78, %mul3A_79 : vector<16xf32>
      %mul3A_81 = arith.mulf %sub3A_77, %sub3A_77 : vector<16xf32>
      %add3A_82 = arith.addf %add3A_80, %mul3A_81 : vector<16xf32>
      %masked_sort3A = arith.constant dense<true> : vector<16xi1>
      %masked_sort3A_83, %masked_sort3A_84, %masked_sort3A_85 = tpu.sort %add3A_82, %iota3A masked %masked_sort3A : (vector<16xf32>, vector<16xi32>, vector<16xi1>) -> (vector<16xi1>, vector<16xf32>, vector<16xi32>)
      %get3A_86 = arith.constant 16 : index
      %get3A_87 = tpu.vector_load %arg6[%get3A_86] {strides = array<i32>} : memref<8192xf32, #tpu.memory_space<vmem>>, vector<16xf32>,
      %sub3A_88 = arith.subf %get3A_87, %gather3A : vector<16xf32>
      %get3A_89 = arith.constant 16 : index
      %get3A_90 = tpu.vector_load %arg7[%get3A_89] {strides = array<i32>} : memref<8192xf32, #tpu.memory_space<vmem>>, vector<16xf32>,
      %sub3A_91 = arith.subf %get3A_90, %gather3A_65 : vector<16xf32>
      %get3A_92 = arith.constant 16 : index
      %get3A_93 = tpu.vector_load %arg8[%get3A_92] {strides = array<i32>} : memref<8192xf32, #tpu.memory_space<vmem>>, vector<16xf32>,
      %sub3A_94 = arith.subf %get3A_93, %gather3A_69 : vector<16xf32>
      %mul3A_95 = arith.mulf %sub3A_88, %sub3A_88 : vector<16xf32>
      %mul3A_96 = arith.mulf %sub3A_91, %sub3A_91 : vector<16xf32>
      %add3A_97 = arith.addf %mul3A_95, %mul3A_96 : vector<16xf32>
      %mul3A_98 = arith.mulf %sub3A_94, %sub3A_94 : vector<16xf32>
      %add3A_99 = arith.addf %add3A_97, %mul3A_98 : vector<16xf32>
      %add3A_100 = arith.constant 16 : i32
      %add3A_101 = vector.broadcast %add3A_100 : i32 to vector<16xi32>
      %add3A_102 = arith.addi %add3A_101, %iota3A : vector<16xi32>
      %masked_sort3A_103 = arith.constant dense<true> : vector<16xi1>
      %masked_sort3A_104, %masked_sort3A_105, %masked_sort3A_106 = tpu.sort %add3A_99, %add3A_102 masked %masked_sort3A_103 : (vector<16xf32>, vector<16xi32>, vector<16xi1>) -> (vector<16xi1>, vector<16xf32>, vector<16xi32>)
      %rev3A = arith.constant 15 : i32
      %rev3A_107 = vector.broadcast %rev3A : i32 to vector<16xi32>
      %rev3A_108 = tpu.iota {dimensions = array<i32: 0>} : vector<16xi32>
      %rev3A_109 = arith.subi %rev3A_107, %rev3A_108 : vector<16xi32>
      %rev3A_110 = tpu.dynamic_gather %masked_sort3A_105[%rev3A_109] in [0] : vector<16xf32>, vector<16xi32> -> vector<16xf32>
      %rev3A_111 = arith.constant 15 : i32
      %rev3A_112 = vector.broadcast %rev3A_111 : i32 to vector<16xi32>
      %rev3A_113 = tpu.iota {dimensions = array<i32: 0>} : vector<16xi32>
      %rev3A_114 = arith.subi %rev3A_112, %rev3A_113 : vector<16xi32>
      %rev3A_115 = tpu.dynamic_gather %masked_sort3A_106[%rev3A_114] in [0] : vector<16xi32>, vector<16xi32> -> vector<16xi32>
      %le3A = arith.cmpf ole, %masked_sort3A_84, %rev3A_110 : vector<16xf32>
      %select_n3A_116 = arith.select %le3A, %masked_sort3A_84, %rev3A_110 : vector<16xi1>, vector<16xf32>
      %select_n3A_117 = arith.select %le3A, %masked_sort3A_85, %rev3A_115 : vector<16xi1>, vector<16xi32>
      %select_n3A_118 = arith.select %le3A, %rev3A_110, %masked_sort3A_84 : vector<16xi1>, vector<16xf32>
      %select_n3A_119 = arith.select %le3A, %rev3A_115, %masked_sort3A_85 : vector<16xi1>, vector<16xi32>
      %masked_sort3A_120 = arith.constant dense<true> : vector<16xi1>
      %masked_sort3A_121, %masked_sort3A_122, %masked_sort3A_123 = tpu.sort %select_n3A_116, %select_n3A_117 masked %masked_sort3A_120 : (vector<16xf32>, vector<16xi32>, vector<16xi1>) -> (vector<16xi1>, vector<16xf32>, vector<16xi32>)
      %masked_sort3A_124 = arith.constant dense<true> : vector<16xi1>
      %masked_sort3A_125, %masked_sort3A_126, %masked_sort3A_127 = tpu.sort %select_n3A_118, %select_n3A_119 masked %masked_sort3A_124 : (vector<16xf32>, vector<16xi32>, vector<16xi1>) -> (vector<16xi1>, vector<16xf32>, vector<16xi32>)
      %reduce_max3A = arith.constant true
      %reduce_max3A_128 = vector.broadcast %reduce_max3A : i1 to vector<16xi1>
      %reduce_max3A_129 = tpu.scan <max>, %masked_sort3A_126 masked %reduce_max3A_128 : vector<16xf32>, vector<16xi1> -> vector<16xf32>
      %reduce_max3A_130 = vector.extract %reduce_max3A_129[15] : f32 from vector<16xf32>
      %scan3A_131 = arith.constant 0 : i32
      %scan3A_132 = arith.constant 2 : i32
      %scan3A_133 = arith.constant 510 : i32
      %scan3A_134 = arith.addi %scan3A_132, %scan3A_133 : i32
      %scan3A_135 = arith.constant 1 : i32
      %scan3A_136:6 = scf.for %scan3A_193 = %scan3A_132 to %scan3A_134 step %scan3A_135 iter_args(%scan3A_194 = %masked_sort3A_122, %scan3A_195 = %masked_sort3A_123, %scan3A_196 = %masked_sort3A_126, %scan3A_197 = %masked_sort3A_127, %scan3A_198 = %reduce_max3A_130, %scan3A_199 = %scan3A_131) -> (vector<16xf32>, vector<16xi32>, vector<16xf32>, vector<16xi32>, f32, i32)  : i32 {
        %mul3A_200 = arith.constant 16 : i32
        %mul3A_201 = arith.muli %scan3A_193, %mul3A_200 : i32
        %get3A_202 = arith.index_cast %mul3A_201 : i32 to index
        %get3A_203 = tpu.vector_load %arg6[%get3A_202] {strides = array<i32>} : memref<8192xf32, #tpu.memory_space<vmem>>, vector<16xf32>,
        %sub3A_204 = arith.subf %get3A_203, %gather3A : vector<16xf32>
        %get3A_205 = arith.index_cast %mul3A_201 : i32 to index
        %get3A_206 = tpu.vector_load %arg7[%get3A_205] {strides = array<i32>} : memref<8192xf32, #tpu.memory_space<vmem>>, vector<16xf32>,
        %sub3A_207 = arith.subf %get3A_206, %gather3A_65 : vector<16xf32>
        %get3A_208 = arith.index_cast %mul3A_201 : i32 to index
        %get3A_209 = tpu.vector_load %arg8[%get3A_208] {strides = array<i32>} : memref<8192xf32, #tpu.memory_space<vmem>>, vector<16xf32>,
        %sub3A_210 = arith.subf %get3A_209, %gather3A_69 : vector<16xf32>
        %mul3A_211 = arith.mulf %sub3A_204, %sub3A_204 : vector<16xf32>
        %mul3A_212 = arith.mulf %sub3A_207, %sub3A_207 : vector<16xf32>
        %add3A_213 = arith.addf %mul3A_211, %mul3A_212 : vector<16xf32>
        %mul3A_214 = arith.mulf %sub3A_210, %sub3A_210 : vector<16xf32>
        %add3A_215 = arith.addf %add3A_213, %mul3A_214 : vector<16xf32>
        %lt3A = vector.broadcast %scan3A_198 : f32 to vector<16xf32>
        %lt3A_216 = arith.cmpf olt, %add3A_215, %lt3A : vector<16xf32>
        %reduce_or3A = arith.constant 1.000000e+00 : f32
        %reduce_or3A_217 = arith.constant 0.000000e+00 : f32
        %reduce_or3A_218 = vector.broadcast %reduce_or3A : f32 to vector<16xf32>
        %reduce_or3A_219 = vector.broadcast %reduce_or3A_217 : f32 to vector<16xf32>
        %reduce_or3A_220 = arith.select %lt3A_216, %reduce_or3A_218, %reduce_or3A_219 : vector<16xi1>, vector<16xf32>
        %reduce_or3A_221 = arith.constant true
        %reduce_or3A_222 = vector.broadcast %reduce_or3A_221 : i1 to vector<16xi1>
        %reduce_or3A_223 = tpu.scan <max>, %reduce_or3A_220 masked %reduce_or3A_222 : vector<16xf32>, vector<16xi1> -> vector<16xf32>
        %reduce_or3A_224 = vector.extract %reduce_or3A_223[15] : f32 from vector<16xf32>
        %reduce_or3A_225 = arith.constant 0.000000e+00 : f32
        %reduce_or3A_226 = arith.cmpf ogt, %reduce_or3A_224, %reduce_or3A_225 : f32
        %convert_element_type3A_227 = arith.extui %reduce_or3A_226 : i1 to i32
        %cond3A_228 = arith.constant 0 : i32
        %cond3A_229 = arith.cmpi ne, %convert_element_type3A_227, %cond3A_228 : i32
        %cond3A_230 = scf.if %cond3A_229 -> (i32) {
          %convert_element_type3A_236 = arith.extui %lt3A_216 : vector<16xi1> to vector<16xi32>
          %broadcast_in_dim3A_237 = arith.constant true
          %broadcast_in_dim3A_238 = vector.broadcast %broadcast_in_dim3A_237 : i1 to vector<16xi1>
          %masked_cumsum3A = tpu.scan <sum>, %convert_element_type3A_236 masked %broadcast_in_dim3A_238 : vector<16xi32>, vector<16xi1> -> vector<16xi32>
          %add3A_239 = vector.broadcast %scan3A_199 : i32 to vector<16xi32>
          %add3A_240 = arith.addi %add3A_239, %masked_cumsum3A : vector<16xi32>
          %sub3A_241 = arith.constant 1 : i32
          %sub3A_242 = vector.broadcast %sub3A_241 : i32 to vector<16xi32>
          %sub3A_243 = arith.subi %add3A_240, %sub3A_242 : vector<16xi32>
          tpu.vector_store_idx %arg13[%sub3A_243], %add3A_215 masked %lt3A_216 : memref<160xf32, #tpu.memory_space<vmem>>[vector<16xi32>], vector<16xf32>, vector<16xi1>
          %mul3A_244 = arith.constant 16 : i32
          %mul3A_245 = arith.muli %scan3A_193, %mul3A_244 : i32
          %add3A_246 = vector.broadcast %mul3A_245 : i32 to vector<16xi32>
          %add3A_247 = arith.addi %add3A_246, %iota3A : vector<16xi32>
          tpu.vector_store_idx %arg14[%sub3A_243], %add3A_247 masked %lt3A_216 : memref<160xi32, #tpu.memory_space<vmem>>[vector<16xi32>], vector<16xi32>, vector<16xi1>
          %convert_element_type3A_248 = arith.extui %lt3A_216 : vector<16xi1> to vector<16xi32>
          %reduce_sum3A = arith.constant true
          %reduce_sum3A_249 = vector.broadcast %reduce_sum3A : i1 to vector<16xi1>
          %reduce_sum3A_250 = tpu.scan <sum>, %convert_element_type3A_248 masked %reduce_sum3A_249 : vector<16xi32>, vector<16xi1> -> vector<16xi32>
          %reduce_sum3A_251 = vector.extract %reduce_sum3A_250[15] : i32 from vector<16xi32>
          %add3A_252 = arith.addi %scan3A_199, %reduce_sum3A_251 : i32
          scf.yield %add3A_252 : i32
        } else {
          scf.yield %scan3A_199 : i32
        }
        %ge3A = arith.constant 112 : i32
        %ge3A_231 = arith.cmpi sge, %cond3A_230, %ge3A : i32
        %convert_element_type3A_232 = arith.extui %ge3A_231 : i1 to i32
        %cond3A_233 = arith.constant 0 : i32
        %cond3A_234 = arith.cmpi ne, %convert_element_type3A_232, %cond3A_233 : i32
        %cond3A_235:6 = scf.if %cond3A_234 -> (vector<16xf32>, vector<16xi32>, vector<16xf32>, vector<16xi32>, f32, i32) {
          %add3A_236 = arith.constant 15 : i32
          %add3A_237 = arith.addi %cond3A_230, %add3A_236 : i32
          %jit3A_238 = arith.constant 16 : i32
          %div3A_239 = arith.divsi %add3A_237, %jit3A_238 : i32
          %sign3A_240 = arith.constant 0 : i32
          %sign3A_241 = arith.cmpi sgt, %add3A_237, %sign3A_240 : i32
          %sign3A_242 = arith.extui %sign3A_241 : i1 to i32
          %sign3A_243 = arith.constant 0 : i32
          %sign3A_244 = arith.cmpi slt, %add3A_237, %sign3A_243 : i32
          %sign3A_245 = arith.extui %sign3A_244 : i1 to i32
          %sign3A_246 = arith.subi %sign3A_242, %sign3A_245 : i32
          %sign3A_247 = arith.constant 0 : i32
          %sign3A_248 = arith.cmpi sgt, %jit3A_238, %sign3A_247 : i32
          %sign3A_249 = arith.extui %sign3A_248 : i1 to i32
          %sign3A_250 = arith.constant 0 : i32
          %sign3A_251 = arith.cmpi slt, %jit3A_238, %sign3A_250 : i32
          %sign3A_252 = arith.extui %sign3A_251 : i1 to i32
          %sign3A_253 = arith.subi %sign3A_249, %sign3A_252 : i32
          %ne3A_254 = arith.cmpi ne, %sign3A_246, %sign3A_253 : i32
          %rem3A_255 = arith.remsi %add3A_237, %jit3A_238 : i32
          %ne3A_256 = arith.constant 0 : i32
          %ne3A_257 = arith.cmpi ne, %rem3A_255, %ne3A_256 : i32
          %and3A_258 = arith.andi %ne3A_254, %ne3A_257 : i1
          %sub3A_259 = arith.constant 1 : i32
          %sub3A_260 = arith.subi %div3A_239, %sub3A_259 : i32
          %select_n3A_261 = arith.select %and3A_258, %sub3A_260, %div3A_239 : i32
          %while3A = arith.constant 0 : i32
          %while3A_262 = arith.subi %select_n3A_261, %while3A : i32
          %while3A_263 = arith.addi %while3A, %while3A_262 : i32
          %while3A_264 = arith.constant 1 : i32
          %while3A_265 = arith.divsi %while3A_262, %while3A_264 : i32
          %while3A_266 = arith.muli %while3A_265, %while3A_264 : i32
          %while3A_267 = arith.addi %while3A, %while3A_266 : i32
          %while3A_268 = arith.constant 1 : i32
          %while3A_269:4 = scf.for %while3A_277 = %while3A to %while3A_267 step %while3A_268 iter_args(%while3A_278 = %scan3A_194, %while3A_279 = %scan3A_195, %while3A_280 = %scan3A_196, %while3A_281 = %scan3A_197) -> (vector<16xf32>, vector<16xi32>, vector<16xf32>, vector<16xi32>)  : i32 {
            %mul3A_282 = arith.constant 16 : i32
            %mul3A_283 = arith.muli %while3A_277, %mul3A_282 : i32
            %get3A_284 = arith.index_cast %mul3A_283 : i32 to index
            %get3A_285 = tpu.vector_load %arg13[%get3A_284] {strides = array<i32>} : memref<160xf32, #tpu.memory_space<vmem>>, vector<16xf32>,
            %mul3A_286 = arith.constant 16 : i32
            %mul3A_287 = arith.muli %while3A_277, %mul3A_286 : i32
            %get3A_288 = arith.index_cast %mul3A_287 : i32 to index
            %get3A_289 = tpu.vector_load %arg14[%get3A_288] {strides = array<i32>} : memref<160xi32, #tpu.memory_space<vmem>>, vector<16xi32>,
            %mul3A_290 = arith.constant 16 : i32
            %mul3A_291 = arith.muli %while3A_277, %mul3A_290 : i32
            %sub3A_292 = arith.subi %cond3A_230, %mul3A_291 : i32
            %lt3A_293 = vector.broadcast %sub3A_292 : i32 to vector<16xi32>
            %lt3A_294 = arith.cmpi slt, %iota3A, %lt3A_293 : vector<16xi32>
            %jit3A_295 = arith.constant 0x7F800000 : f32
            %broadcast_in_dim3A_296 = vector.broadcast %jit3A_295 : f32 to vector<16xf32>
            %select_n3A_297 = arith.select %lt3A_294, %get3A_285, %broadcast_in_dim3A_296 : vector<16xi1>, vector<16xf32>
            %masked_sort3A_298 = arith.constant dense<true> : vector<16xi1>
            %masked_sort3A_299, %masked_sort3A_300, %masked_sort3A_301 = tpu.sort %select_n3A_297, %get3A_289 masked %masked_sort3A_298 : (vector<16xf32>, vector<16xi32>, vector<16xi1>) -> (vector<16xi1>, vector<16xf32>, vector<16xi32>)
            %rev3A_302 = arith.constant 15 : i32
            %rev3A_303 = vector.broadcast %rev3A_302 : i32 to vector<16xi32>
            %rev3A_304 = tpu.iota {dimensions = array<i32: 0>} : vector<16xi32>
            %rev3A_305 = arith.subi %rev3A_303, %rev3A_304 : vector<16xi32>
            %rev3A_306 = tpu.dynamic_gather %masked_sort3A_300[%rev3A_305] in [0] : vector<16xf32>, vector<16xi32> -> vector<16xf32>
            %rev3A_307 = arith.constant 15 : i32
            %rev3A_308 = vector.broadcast %rev3A_307 : i32 to vector<16xi32>
            %rev3A_309 = tpu.iota {dimensions = array<i32: 0>} : vector<16xi32>
            %rev3A_310 = arith.subi %rev3A_308, %rev3A_309 : vector<16xi32>
            %rev3A_311 = tpu.dynamic_gather %masked_sort3A_301[%rev3A_310] in [0] : vector<16xi32>, vector<16xi32> -> vector<16xi32>
            %le3A_312 = arith.cmpf ole, %while3A_280, %rev3A_306 : vector<16xf32>
            %select_n3A_313 = arith.select %le3A_312, %while3A_280, %rev3A_306 : vector<16xi1>, vector<16xf32>
            %select_n3A_314 = arith.select %le3A_312, %while3A_281, %rev3A_311 : vector<16xi1>, vector<16xi32>
            %masked_sort3A_315 = arith.constant dense<true> : vector<16xi1>
            %masked_sort3A_316, %masked_sort3A_317, %masked_sort3A_318 = tpu.sort %select_n3A_313, %select_n3A_314 masked %masked_sort3A_315 : (vector<16xf32>, vector<16xi32>, vector<16xi1>) -> (vector<16xi1>, vector<16xf32>, vector<16xi32>)
            %rev3A_319 = arith.constant 15 : i32
            %rev3A_320 = vector.broadcast %rev3A_319 : i32 to vector<16xi32>
            %rev3A_321 = tpu.iota {dimensions = array<i32: 0>} : vector<16xi32>
            %rev3A_322 = arith.subi %rev3A_320, %rev3A_321 : vector<16xi32>
            %rev3A_323 = tpu.dynamic_gather %masked_sort3A_317[%rev3A_322] in [0] : vector<16xf32>, vector<16xi32> -> vector<16xf32>
            %rev3A_324 = arith.constant 15 : i32
            %rev3A_325 = vector.broadcast %rev3A_324 : i32 to vector<16xi32>
            %rev3A_326 = tpu.iota {dimensions = array<i32: 0>} : vector<16xi32>
            %rev3A_327 = arith.subi %rev3A_325, %rev3A_326 : vector<16xi32>
            %rev3A_328 = tpu.dynamic_gather %masked_sort3A_318[%rev3A_327] in [0] : vector<16xi32>, vector<16xi32> -> vector<16xi32>
            %le3A_329 = arith.cmpf ole, %while3A_278, %rev3A_323 : vector<16xf32>
            %select_n3A_330 = arith.select %le3A_329, %while3A_278, %rev3A_323 : vector<16xi1>, vector<16xf32>
            %select_n3A_331 = arith.select %le3A_329, %while3A_279, %rev3A_328 : vector<16xi1>, vector<16xi32>
            %select_n3A_332 = arith.select %le3A_329, %rev3A_323, %while3A_278 : vector<16xi1>, vector<16xf32>
            %select_n3A_333 = arith.select %le3A_329, %rev3A_328, %while3A_279 : vector<16xi1>, vector<16xi32>
            %masked_sort3A_334 = arith.constant dense<true> : vector<16xi1>
            %masked_sort3A_335, %masked_sort3A_336, %masked_sort3A_337 = tpu.sort %select_n3A_330, %select_n3A_331 masked %masked_sort3A_334 : (vector<16xf32>, vector<16xi32>, vector<16xi1>) -> (vector<16xi1>, vector<16xf32>, vector<16xi32>)
            %masked_sort3A_338 = arith.constant dense<true> : vector<16xi1>
            %masked_sort3A_339, %masked_sort3A_340, %masked_sort3A_341 = tpu.sort %select_n3A_332, %select_n3A_333 masked %masked_sort3A_338 : (vector<16xf32>, vector<16xi32>, vector<16xi1>) -> (vector<16xi1>, vector<16xf32>, vector<16xi32>)
            scf.yield %masked_sort3A_336, %masked_sort3A_337, %masked_sort3A_340, %masked_sort3A_341 : vector<16xf32>, vector<16xi32>, vector<16xf32>, vector<16xi32>
          }
          %while3A_270 = arith.constant 1 : i32
          %while3A_271:4 = scf.for %while3A_277 = %while3A_267 to %while3A_263 step %while3A_270 iter_args(%while3A_278 = %while3A_269#0, %while3A_279 = %while3A_269#1, %while3A_280 = %while3A_269#2, %while3A_281 = %while3A_269#3) -> (vector<16xf32>, vector<16xi32>, vector<16xf32>, vector<16xi32>)  : i32 {
            %mul3A_282 = arith.constant 16 : i32
            %mul3A_283 = arith.muli %while3A_277, %mul3A_282 : i32
            %get3A_284 = arith.index_cast %mul3A_283 : i32 to index
            %get3A_285 = tpu.vector_load %arg13[%get3A_284] {strides = array<i32>} : memref<160xf32, #tpu.memory_space<vmem>>, vector<16xf32>,
            %mul3A_286 = arith.constant 16 : i32
            %mul3A_287 = arith.muli %while3A_277, %mul3A_286 : i32
            %get3A_288 = arith.index_cast %mul3A_287 : i32 to index
            %get3A_289 = tpu.vector_load %arg14[%get3A_288] {strides = array<i32>} : memref<160xi32, #tpu.memory_space<vmem>>, vector<16xi32>,
            %mul3A_290 = arith.constant 16 : i32
            %mul3A_291 = arith.muli %while3A_277, %mul3A_290 : i32
            %sub3A_292 = arith.subi %cond3A_230, %mul3A_291 : i32
            %lt3A_293 = vector.broadcast %sub3A_292 : i32 to vector<16xi32>
            %lt3A_294 = arith.cmpi slt, %iota3A, %lt3A_293 : vector<16xi32>
            %jit3A_295 = arith.constant 0x7F800000 : f32
            %broadcast_in_dim3A_296 = vector.broadcast %jit3A_295 : f32 to vector<16xf32>
            %select_n3A_297 = arith.select %lt3A_294, %get3A_285, %broadcast_in_dim3A_296 : vector<16xi1>, vector<16xf32>
            %masked_sort3A_298 = arith.constant dense<true> : vector<16xi1>
            %masked_sort3A_299, %masked_sort3A_300, %masked_sort3A_301 = tpu.sort %select_n3A_297, %get3A_289 masked %masked_sort3A_298 : (vector<16xf32>, vector<16xi32>, vector<16xi1>) -> (vector<16xi1>, vector<16xf32>, vector<16xi32>)
            %rev3A_302 = arith.constant 15 : i32
            %rev3A_303 = vector.broadcast %rev3A_302 : i32 to vector<16xi32>
            %rev3A_304 = tpu.iota {dimensions = array<i32: 0>} : vector<16xi32>
            %rev3A_305 = arith.subi %rev3A_303, %rev3A_304 : vector<16xi32>
            %rev3A_306 = tpu.dynamic_gather %masked_sort3A_300[%rev3A_305] in [0] : vector<16xf32>, vector<16xi32> -> vector<16xf32>
            %rev3A_307 = arith.constant 15 : i32
            %rev3A_308 = vector.broadcast %rev3A_307 : i32 to vector<16xi32>
            %rev3A_309 = tpu.iota {dimensions = array<i32: 0>} : vector<16xi32>
            %rev3A_310 = arith.subi %rev3A_308, %rev3A_309 : vector<16xi32>
            %rev3A_311 = tpu.dynamic_gather %masked_sort3A_301[%rev3A_310] in [0] : vector<16xi32>, vector<16xi32> -> vector<16xi32>
            %le3A_312 = arith.cmpf ole, %while3A_280, %rev3A_306 : vector<16xf32>
            %select_n3A_313 = arith.select %le3A_312, %while3A_280, %rev3A_306 : vector<16xi1>, vector<16xf32>
            %select_n3A_314 = arith.select %le3A_312, %while3A_281, %rev3A_311 : vector<16xi1>, vector<16xi32>
            %masked_sort3A_315 = arith.constant dense<true> : vector<16xi1>
            %masked_sort3A_316, %masked_sort3A_317, %masked_sort3A_318 = tpu.sort %select_n3A_313, %select_n3A_314 masked %masked_sort3A_315 : (vector<16xf32>, vector<16xi32>, vector<16xi1>) -> (vector<16xi1>, vector<16xf32>, vector<16xi32>)
            %rev3A_319 = arith.constant 15 : i32
            %rev3A_320 = vector.broadcast %rev3A_319 : i32 to vector<16xi32>
            %rev3A_321 = tpu.iota {dimensions = array<i32: 0>} : vector<16xi32>
            %rev3A_322 = arith.subi %rev3A_320, %rev3A_321 : vector<16xi32>
            %rev3A_323 = tpu.dynamic_gather %masked_sort3A_317[%rev3A_322] in [0] : vector<16xf32>, vector<16xi32> -> vector<16xf32>
            %rev3A_324 = arith.constant 15 : i32
            %rev3A_325 = vector.broadcast %rev3A_324 : i32 to vector<16xi32>
            %rev3A_326 = tpu.iota {dimensions = array<i32: 0>} : vector<16xi32>
            %rev3A_327 = arith.subi %rev3A_325, %rev3A_326 : vector<16xi32>
            %rev3A_328 = tpu.dynamic_gather %masked_sort3A_318[%rev3A_327] in [0] : vector<16xi32>, vector<16xi32> -> vector<16xi32>
            %le3A_329 = arith.cmpf ole, %while3A_278, %rev3A_323 : vector<16xf32>
            %select_n3A_330 = arith.select %le3A_329, %while3A_278, %rev3A_323 : vector<16xi1>, vector<16xf32>
            %select_n3A_331 = arith.select %le3A_329, %while3A_279, %rev3A_328 : vector<16xi1>, vector<16xi32>
            %select_n3A_332 = arith.select %le3A_329, %rev3A_323, %while3A_278 : vector<16xi1>, vector<16xf32>
            %select_n3A_333 = arith.select %le3A_329, %rev3A_328, %while3A_279 : vector<16xi1>, vector<16xi32>
            %masked_sort3A_334 = arith.constant dense<true> : vector<16xi1>
            %masked_sort3A_335, %masked_sort3A_336, %masked_sort3A_337 = tpu.sort %select_n3A_330, %select_n3A_331 masked %masked_sort3A_334 : (vector<16xf32>, vector<16xi32>, vector<16xi1>) -> (vector<16xi1>, vector<16xf32>, vector<16xi32>)
            %masked_sort3A_338 = arith.constant dense<true> : vector<16xi1>
            %masked_sort3A_339, %masked_sort3A_340, %masked_sort3A_341 = tpu.sort %select_n3A_332, %select_n3A_333 masked %masked_sort3A_338 : (vector<16xf32>, vector<16xi32>, vector<16xi1>) -> (vector<16xi1>, vector<16xf32>, vector<16xi32>)
            scf.yield %masked_sort3A_336, %masked_sort3A_337, %masked_sort3A_340, %masked_sort3A_341 : vector<16xf32>, vector<16xi32>, vector<16xf32>, vector<16xi32>
          }
          %reduce_max3A_272 = arith.constant true
          %reduce_max3A_273 = vector.broadcast %reduce_max3A_272 : i1 to vector<16xi1>
          %reduce_max3A_274 = tpu.scan <max>, %while3A_271#2 masked %reduce_max3A_273 : vector<16xf32>, vector<16xi1> -> vector<16xf32>
          %reduce_max3A_275 = vector.extract %reduce_max3A_274[15] : f32 from vector<16xf32>
          %cond3A_276 = arith.constant 0 : i32
          scf.yield %while3A_271#0, %while3A_271#1, %while3A_271#2, %while3A_271#3, %reduce_max3A_275, %cond3A_276 : vector<16xf32>, vector<16xi32>, vector<16xf32>, vector<16xi32>, f32, i32
        } else {
          scf.yield %scan3A_194, %scan3A_195, %scan3A_196, %scan3A_197, %scan3A_198, %cond3A_230 : vector<16xf32>, vector<16xi32>, vector<16xf32>, vector<16xi32>, f32, i32
        }
        scf.yield %cond3A_235#0, %cond3A_235#1, %cond3A_235#2, %cond3A_235#3, %cond3A_235#4, %cond3A_235#5 : vector<16xf32>, vector<16xi32>, vector<16xf32>, vector<16xi32>, f32, i32
      }
      %scan3A_137 = arith.constant 510 : i32
      %gt3A = arith.constant 0 : i32
      %gt3A_138 = arith.cmpi sgt, %scan3A_136#5, %gt3A : i32
      %convert_element_type3A_139 = arith.extui %gt3A_138 : i1 to i32
      %cond3A_140 = arith.constant 0 : i32
      %cond3A_141 = arith.cmpi ne, %convert_element_type3A_139, %cond3A_140 : i32
      %cond3A_142:6 = scf.if %cond3A_141 -> (vector<16xf32>, vector<16xi32>, vector<16xf32>, vector<16xi32>, f32, i32) {
        %add3A_193 = arith.constant 15 : i32
        %add3A_194 = arith.addi %scan3A_136#5, %add3A_193 : i32
        %jit3A_195 = arith.constant 16 : i32
        %div3A_196 = arith.divsi %add3A_194, %jit3A_195 : i32
        %sign3A_197 = arith.constant 0 : i32
        %sign3A_198 = arith.cmpi sgt, %add3A_194, %sign3A_197 : i32
        %sign3A_199 = arith.extui %sign3A_198 : i1 to i32
        %sign3A_200 = arith.constant 0 : i32
        %sign3A_201 = arith.cmpi slt, %add3A_194, %sign3A_200 : i32
        %sign3A_202 = arith.extui %sign3A_201 : i1 to i32
        %sign3A_203 = arith.subi %sign3A_199, %sign3A_202 : i32
        %sign3A_204 = arith.constant 0 : i32
        %sign3A_205 = arith.cmpi sgt, %jit3A_195, %sign3A_204 : i32
        %sign3A_206 = arith.extui %sign3A_205 : i1 to i32
        %sign3A_207 = arith.constant 0 : i32
        %sign3A_208 = arith.cmpi slt, %jit3A_195, %sign3A_207 : i32
        %sign3A_209 = arith.extui %sign3A_208 : i1 to i32
        %sign3A_210 = arith.subi %sign3A_206, %sign3A_209 : i32
        %ne3A_211 = arith.cmpi ne, %sign3A_203, %sign3A_210 : i32
        %rem3A_212 = arith.remsi %add3A_194, %jit3A_195 : i32
        %ne3A_213 = arith.constant 0 : i32
        %ne3A_214 = arith.cmpi ne, %rem3A_212, %ne3A_213 : i32
        %and3A_215 = arith.andi %ne3A_211, %ne3A_214 : i1
        %sub3A_216 = arith.constant 1 : i32
        %sub3A_217 = arith.subi %div3A_196, %sub3A_216 : i32
        %select_n3A_218 = arith.select %and3A_215, %sub3A_217, %div3A_196 : i32
        %while3A = arith.constant 0 : i32
        %while3A_219 = arith.subi %select_n3A_218, %while3A : i32
        %while3A_220 = arith.addi %while3A, %while3A_219 : i32
        %while3A_221 = arith.constant 1 : i32
        %while3A_222 = arith.divsi %while3A_219, %while3A_221 : i32
        %while3A_223 = arith.muli %while3A_222, %while3A_221 : i32
        %while3A_224 = arith.addi %while3A, %while3A_223 : i32
        %while3A_225 = arith.constant 1 : i32
        %while3A_226:4 = scf.for %while3A_234 = %while3A to %while3A_224 step %while3A_225 iter_args(%while3A_235 = %scan3A_136#0, %while3A_236 = %scan3A_136#1, %while3A_237 = %scan3A_136#2, %while3A_238 = %scan3A_136#3) -> (vector<16xf32>, vector<16xi32>, vector<16xf32>, vector<16xi32>)  : i32 {
          %mul3A_239 = arith.constant 16 : i32
          %mul3A_240 = arith.muli %while3A_234, %mul3A_239 : i32
          %get3A_241 = arith.index_cast %mul3A_240 : i32 to index
          %get3A_242 = tpu.vector_load %arg13[%get3A_241] {strides = array<i32>} : memref<160xf32, #tpu.memory_space<vmem>>, vector<16xf32>,
          %mul3A_243 = arith.constant 16 : i32
          %mul3A_244 = arith.muli %while3A_234, %mul3A_243 : i32
          %get3A_245 = arith.index_cast %mul3A_244 : i32 to index
          %get3A_246 = tpu.vector_load %arg14[%get3A_245] {strides = array<i32>} : memref<160xi32, #tpu.memory_space<vmem>>, vector<16xi32>,
          %mul3A_247 = arith.constant 16 : i32
          %mul3A_248 = arith.muli %while3A_234, %mul3A_247 : i32
          %sub3A_249 = arith.subi %scan3A_136#5, %mul3A_248 : i32
          %lt3A = vector.broadcast %sub3A_249 : i32 to vector<16xi32>
          %lt3A_250 = arith.cmpi slt, %iota3A, %lt3A : vector<16xi32>
          %jit3A_251 = arith.constant 0x7F800000 : f32
          %broadcast_in_dim3A_252 = vector.broadcast %jit3A_251 : f32 to vector<16xf32>
          %select_n3A_253 = arith.select %lt3A_250, %get3A_242, %broadcast_in_dim3A_252 : vector<16xi1>, vector<16xf32>
          %masked_sort3A_254 = arith.constant dense<true> : vector<16xi1>
          %masked_sort3A_255, %masked_sort3A_256, %masked_sort3A_257 = tpu.sort %select_n3A_253, %get3A_246 masked %masked_sort3A_254 : (vector<16xf32>, vector<16xi32>, vector<16xi1>) -> (vector<16xi1>, vector<16xf32>, vector<16xi32>)
          %rev3A_258 = arith.constant 15 : i32
          %rev3A_259 = vector.broadcast %rev3A_258 : i32 to vector<16xi32>
          %rev3A_260 = tpu.iota {dimensions = array<i32: 0>} : vector<16xi32>
          %rev3A_261 = arith.subi %rev3A_259, %rev3A_260 : vector<16xi32>
          %rev3A_262 = tpu.dynamic_gather %masked_sort3A_256[%rev3A_261] in [0] : vector<16xf32>, vector<16xi32> -> vector<16xf32>
          %rev3A_263 = arith.constant 15 : i32
          %rev3A_264 = vector.broadcast %rev3A_263 : i32 to vector<16xi32>
          %rev3A_265 = tpu.iota {dimensions = array<i32: 0>} : vector<16xi32>
          %rev3A_266 = arith.subi %rev3A_264, %rev3A_265 : vector<16xi32>
          %rev3A_267 = tpu.dynamic_gather %masked_sort3A_257[%rev3A_266] in [0] : vector<16xi32>, vector<16xi32> -> vector<16xi32>
          %le3A_268 = arith.cmpf ole, %while3A_237, %rev3A_262 : vector<16xf32>
          %select_n3A_269 = arith.select %le3A_268, %while3A_237, %rev3A_262 : vector<16xi1>, vector<16xf32>
          %select_n3A_270 = arith.select %le3A_268, %while3A_238, %rev3A_267 : vector<16xi1>, vector<16xi32>
          %masked_sort3A_271 = arith.constant dense<true> : vector<16xi1>
          %masked_sort3A_272, %masked_sort3A_273, %masked_sort3A_274 = tpu.sort %select_n3A_269, %select_n3A_270 masked %masked_sort3A_271 : (vector<16xf32>, vector<16xi32>, vector<16xi1>) -> (vector<16xi1>, vector<16xf32>, vector<16xi32>)
          %rev3A_275 = arith.constant 15 : i32
          %rev3A_276 = vector.broadcast %rev3A_275 : i32 to vector<16xi32>
          %rev3A_277 = tpu.iota {dimensions = array<i32: 0>} : vector<16xi32>
          %rev3A_278 = arith.subi %rev3A_276, %rev3A_277 : vector<16xi32>
          %rev3A_279 = tpu.dynamic_gather %masked_sort3A_273[%rev3A_278] in [0] : vector<16xf32>, vector<16xi32> -> vector<16xf32>
          %rev3A_280 = arith.constant 15 : i32
          %rev3A_281 = vector.broadcast %rev3A_280 : i32 to vector<16xi32>
          %rev3A_282 = tpu.iota {dimensions = array<i32: 0>} : vector<16xi32>
          %rev3A_283 = arith.subi %rev3A_281, %rev3A_282 : vector<16xi32>
          %rev3A_284 = tpu.dynamic_gather %masked_sort3A_274[%rev3A_283] in [0] : vector<16xi32>, vector<16xi32> -> vector<16xi32>
          %le3A_285 = arith.cmpf ole, %while3A_235, %rev3A_279 : vector<16xf32>
          %select_n3A_286 = arith.select %le3A_285, %while3A_235, %rev3A_279 : vector<16xi1>, vector<16xf32>
          %select_n3A_287 = arith.select %le3A_285, %while3A_236, %rev3A_284 : vector<16xi1>, vector<16xi32>
          %select_n3A_288 = arith.select %le3A_285, %rev3A_279, %while3A_235 : vector<16xi1>, vector<16xf32>
          %select_n3A_289 = arith.select %le3A_285, %rev3A_284, %while3A_236 : vector<16xi1>, vector<16xi32>
          %masked_sort3A_290 = arith.constant dense<true> : vector<16xi1>
          %masked_sort3A_291, %masked_sort3A_292, %masked_sort3A_293 = tpu.sort %select_n3A_286, %select_n3A_287 masked %masked_sort3A_290 : (vector<16xf32>, vector<16xi32>, vector<16xi1>) -> (vector<16xi1>, vector<16xf32>, vector<16xi32>)
          %masked_sort3A_294 = arith.constant dense<true> : vector<16xi1>
          %masked_sort3A_295, %masked_sort3A_296, %masked_sort3A_297 = tpu.sort %select_n3A_288, %select_n3A_289 masked %masked_sort3A_294 : (vector<16xf32>, vector<16xi32>, vector<16xi1>) -> (vector<16xi1>, vector<16xf32>, vector<16xi32>)
          scf.yield %masked_sort3A_292, %masked_sort3A_293, %masked_sort3A_296, %masked_sort3A_297 : vector<16xf32>, vector<16xi32>, vector<16xf32>, vector<16xi32>
        }
        %while3A_227 = arith.constant 1 : i32
        %while3A_228:4 = scf.for %while3A_234 = %while3A_224 to %while3A_220 step %while3A_227 iter_args(%while3A_235 = %while3A_226#0, %while3A_236 = %while3A_226#1, %while3A_237 = %while3A_226#2, %while3A_238 = %while3A_226#3) -> (vector<16xf32>, vector<16xi32>, vector<16xf32>, vector<16xi32>)  : i32 {
          %mul3A_239 = arith.constant 16 : i32
          %mul3A_240 = arith.muli %while3A_234, %mul3A_239 : i32
          %get3A_241 = arith.index_cast %mul3A_240 : i32 to index
          %get3A_242 = tpu.vector_load %arg13[%get3A_241] {strides = array<i32>} : memref<160xf32, #tpu.memory_space<vmem>>, vector<16xf32>,
          %mul3A_243 = arith.constant 16 : i32
          %mul3A_244 = arith.muli %while3A_234, %mul3A_243 : i32
          %get3A_245 = arith.index_cast %mul3A_244 : i32 to index
          %get3A_246 = tpu.vector_load %arg14[%get3A_245] {strides = array<i32>} : memref<160xi32, #tpu.memory_space<vmem>>, vector<16xi32>,
          %mul3A_247 = arith.constant 16 : i32
          %mul3A_248 = arith.muli %while3A_234, %mul3A_247 : i32
          %sub3A_249 = arith.subi %scan3A_136#5, %mul3A_248 : i32
          %lt3A = vector.broadcast %sub3A_249 : i32 to vector<16xi32>
          %lt3A_250 = arith.cmpi slt, %iota3A, %lt3A : vector<16xi32>
          %jit3A_251 = arith.constant 0x7F800000 : f32
          %broadcast_in_dim3A_252 = vector.broadcast %jit3A_251 : f32 to vector<16xf32>
          %select_n3A_253 = arith.select %lt3A_250, %get3A_242, %broadcast_in_dim3A_252 : vector<16xi1>, vector<16xf32>
          %masked_sort3A_254 = arith.constant dense<true> : vector<16xi1>
          %masked_sort3A_255, %masked_sort3A_256, %masked_sort3A_257 = tpu.sort %select_n3A_253, %get3A_246 masked %masked_sort3A_254 : (vector<16xf32>, vector<16xi32>, vector<16xi1>) -> (vector<16xi1>, vector<16xf32>, vector<16xi32>)
          %rev3A_258 = arith.constant 15 : i32
          %rev3A_259 = vector.broadcast %rev3A_258 : i32 to vector<16xi32>
          %rev3A_260 = tpu.iota {dimensions = array<i32: 0>} : vector<16xi32>
          %rev3A_261 = arith.subi %rev3A_259, %rev3A_260 : vector<16xi32>
          %rev3A_262 = tpu.dynamic_gather %masked_sort3A_256[%rev3A_261] in [0] : vector<16xf32>, vector<16xi32> -> vector<16xf32>
          %rev3A_263 = arith.constant 15 : i32
          %rev3A_264 = vector.broadcast %rev3A_263 : i32 to vector<16xi32>
          %rev3A_265 = tpu.iota {dimensions = array<i32: 0>} : vector<16xi32>
          %rev3A_266 = arith.subi %rev3A_264, %rev3A_265 : vector<16xi32>
          %rev3A_267 = tpu.dynamic_gather %masked_sort3A_257[%rev3A_266] in [0] : vector<16xi32>, vector<16xi32> -> vector<16xi32>
          %le3A_268 = arith.cmpf ole, %while3A_237, %rev3A_262 : vector<16xf32>
          %select_n3A_269 = arith.select %le3A_268, %while3A_237, %rev3A_262 : vector<16xi1>, vector<16xf32>
          %select_n3A_270 = arith.select %le3A_268, %while3A_238, %rev3A_267 : vector<16xi1>, vector<16xi32>
          %masked_sort3A_271 = arith.constant dense<true> : vector<16xi1>
          %masked_sort3A_272, %masked_sort3A_273, %masked_sort3A_274 = tpu.sort %select_n3A_269, %select_n3A_270 masked %masked_sort3A_271 : (vector<16xf32>, vector<16xi32>, vector<16xi1>) -> (vector<16xi1>, vector<16xf32>, vector<16xi32>)
          %rev3A_275 = arith.constant 15 : i32
          %rev3A_276 = vector.broadcast %rev3A_275 : i32 to vector<16xi32>
          %rev3A_277 = tpu.iota {dimensions = array<i32: 0>} : vector<16xi32>
          %rev3A_278 = arith.subi %rev3A_276, %rev3A_277 : vector<16xi32>
          %rev3A_279 = tpu.dynamic_gather %masked_sort3A_273[%rev3A_278] in [0] : vector<16xf32>, vector<16xi32> -> vector<16xf32>
          %rev3A_280 = arith.constant 15 : i32
          %rev3A_281 = vector.broadcast %rev3A_280 : i32 to vector<16xi32>
          %rev3A_282 = tpu.iota {dimensions = array<i32: 0>} : vector<16xi32>
          %rev3A_283 = arith.subi %rev3A_281, %rev3A_282 : vector<16xi32>
          %rev3A_284 = tpu.dynamic_gather %masked_sort3A_274[%rev3A_283] in [0] : vector<16xi32>, vector<16xi32> -> vector<16xi32>
          %le3A_285 = arith.cmpf ole, %while3A_235, %rev3A_279 : vector<16xf32>
          %select_n3A_286 = arith.select %le3A_285, %while3A_235, %rev3A_279 : vector<16xi1>, vector<16xf32>
          %select_n3A_287 = arith.select %le3A_285, %while3A_236, %rev3A_284 : vector<16xi1>, vector<16xi32>
          %select_n3A_288 = arith.select %le3A_285, %rev3A_279, %while3A_235 : vector<16xi1>, vector<16xf32>
          %select_n3A_289 = arith.select %le3A_285, %rev3A_284, %while3A_236 : vector<16xi1>, vector<16xi32>
          %masked_sort3A_290 = arith.constant dense<true> : vector<16xi1>
          %masked_sort3A_291, %masked_sort3A_292, %masked_sort3A_293 = tpu.sort %select_n3A_286, %select_n3A_287 masked %masked_sort3A_290 : (vector<16xf32>, vector<16xi32>, vector<16xi1>) -> (vector<16xi1>, vector<16xf32>, vector<16xi32>)
          %masked_sort3A_294 = arith.constant dense<true> : vector<16xi1>
          %masked_sort3A_295, %masked_sort3A_296, %masked_sort3A_297 = tpu.sort %select_n3A_288, %select_n3A_289 masked %masked_sort3A_294 : (vector<16xf32>, vector<16xi32>, vector<16xi1>) -> (vector<16xi1>, vector<16xf32>, vector<16xi32>)
          scf.yield %masked_sort3A_292, %masked_sort3A_293, %masked_sort3A_296, %masked_sort3A_297 : vector<16xf32>, vector<16xi32>, vector<16xf32>, vector<16xi32>
        }
        %reduce_max3A_229 = arith.constant true
        %reduce_max3A_230 = vector.broadcast %reduce_max3A_229 : i1 to vector<16xi1>
        %reduce_max3A_231 = tpu.scan <max>, %while3A_228#2 masked %reduce_max3A_230 : vector<16xf32>, vector<16xi1> -> vector<16xf32>
        %reduce_max3A_232 = vector.extract %reduce_max3A_231[15] : f32 from vector<16xf32>
        %cond3A_233 = arith.constant 0 : i32
        scf.yield %while3A_228#0, %while3A_228#1, %while3A_228#2, %while3A_228#3, %reduce_max3A_232, %cond3A_233 : vector<16xf32>, vector<16xi32>, vector<16xf32>, vector<16xi32>, f32, i32
      } else {
        scf.yield %scan3A_136#0, %scan3A_136#1, %scan3A_136#2, %scan3A_136#3, %scan3A_136#4, %scan3A_136#5 : vector<16xf32>, vector<16xi32>, vector<16xf32>, vector<16xi32>, f32, i32
      }
      %mul3A_143 = arith.constant 32 : i32
      %mul3A_144 = arith.muli %scan3A_56, %mul3A_143 : i32
      %swap3A = arith.index_cast %mul3A_144 : i32 to index
      %swap3A_145 = tpu.vector_load %arg11[%swap3A] {strides = array<i32>} : memref<4096xi32, #tpu.memory_space<vmem>>, vector<16xi32>,
      tpu.vector_store %arg11[%swap3A], %cond3A_142#1 {strides = array<i32>} : memref<4096xi32, #tpu.memory_space<vmem>>, vector<16xi32>,
      %mul3A_146 = arith.constant 32 : i32
      %mul3A_147 = arith.muli %scan3A_56, %mul3A_146 : i32
      %add3A_148 = arith.constant 16 : i32
      %add3A_149 = arith.addi %mul3A_147, %add3A_148 : i32
      %swap3A_150 = arith.index_cast %add3A_149 : i32 to index
      %swap3A_151 = tpu.vector_load %arg11[%swap3A_150] {strides = array<i32>} : memref<4096xi32, #tpu.memory_space<vmem>>, vector<16xi32>,
      tpu.vector_store %arg11[%swap3A_150], %cond3A_142#3 {strides = array<i32>} : memref<4096xi32, #tpu.memory_space<vmem>>, vector<16xi32>,
      %mul3A_152 = arith.constant 3 : i32
      %mul3A_153 = vector.broadcast %mul3A_152 : i32 to vector<16xi32>
      %mul3A_154 = arith.muli %iota3A, %mul3A_153 : vector<16xi32>
      %mul3A_155 = arith.constant 96 : i32
      %mul3A_156 = arith.muli %scan3A_56, %mul3A_155 : i32
      %add3A_157 = arith.constant 0 : i32
      %add3A_158 = arith.addi %mul3A_156, %add3A_157 : i32
      %add3A_159 = vector.broadcast %add3A_158 : i32 to vector<16xi32>
      %add3A_160 = arith.addi %add3A_159, %mul3A_154 : vector<16xi32>
      %gather3A_161 = tpu.vector_load_idx %arg6[%cond3A_142#1] : memref<8192xf32, #tpu.memory_space<vmem>>[vector<16xi32>], vector<16xf32>,
      tpu.vector_store_idx %arg12[%add3A_160], %gather3A_161 : memref<12288xf32, #tpu.memory_space<vmem>>[vector<16xi32>], vector<16xf32>,
      %add3A_162 = vector.broadcast %add3A_158 : i32 to vector<16xi32>
      %add3A_163 = arith.addi %add3A_162, %mul3A_154 : vector<16xi32>
      %add3A_164 = arith.constant 1 : i32
      %add3A_165 = vector.broadcast %add3A_164 : i32 to vector<16xi32>
      %add3A_166 = arith.addi %add3A_163, %add3A_165 : vector<16xi32>
      %gather3A_167 = tpu.vector_load_idx %arg7[%cond3A_142#1] : memref<8192xf32, #tpu.memory_space<vmem>>[vector<16xi32>], vector<16xf32>,
      tpu.vector_store_idx %arg12[%add3A_166], %gather3A_167 : memref<12288xf32, #tpu.memory_space<vmem>>[vector<16xi32>], vector<16xf32>,
      %add3A_168 = vector.broadcast %add3A_158 : i32 to vector<16xi32>
      %add3A_169 = arith.addi %add3A_168, %mul3A_154 : vector<16xi32>
      %add3A_170 = arith.constant 2 : i32
      %add3A_171 = vector.broadcast %add3A_170 : i32 to vector<16xi32>
      %add3A_172 = arith.addi %add3A_169, %add3A_171 : vector<16xi32>
      %gather3A_173 = tpu.vector_load_idx %arg8[%cond3A_142#1] : memref<8192xf32, #tpu.memory_space<vmem>>[vector<16xi32>], vector<16xf32>,
      tpu.vector_store_idx %arg12[%add3A_172], %gather3A_173 : memref<12288xf32, #tpu.memory_space<vmem>>[vector<16xi32>], vector<16xf32>,
      %mul3A_174 = arith.constant 96 : i32
      %mul3A_175 = arith.muli %scan3A_56, %mul3A_174 : i32
      %add3A_176 = arith.constant 48 : i32
      %add3A_177 = arith.addi %mul3A_175, %add3A_176 : i32
      %add3A_178 = vector.broadcast %add3A_177 : i32 to vector<16xi32>
      %add3A_179 = arith.addi %add3A_178, %mul3A_154 : vector<16xi32>
      %gather3A_180 = tpu.vector_load_idx %arg6[%cond3A_142#3] : memref<8192xf32, #tpu.memory_space<vmem>>[vector<16xi32>], vector<16xf32>,
      tpu.vector_store_idx %arg12[%add3A_179], %gather3A_180 : memref<12288xf32, #tpu.memory_space<vmem>>[vector<16xi32>], vector<16xf32>,
      %add3A_181 = vector.broadcast %add3A_177 : i32 to vector<16xi32>
      %add3A_182 = arith.addi %add3A_181, %mul3A_154 : vector<16xi32>
      %add3A_183 = arith.constant 1 : i32
      %add3A_184 = vector.broadcast %add3A_183 : i32 to vector<16xi32>
      %add3A_185 = arith.addi %add3A_182, %add3A_184 : vector<16xi32>
      %gather3A_186 = tpu.vector_load_idx %arg7[%cond3A_142#3] : memref<8192xf32, #tpu.memory_space<vmem>>[vector<16xi32>], vector<16xf32>,
      tpu.vector_store_idx %arg12[%add3A_185], %gather3A_186 : memref<12288xf32, #tpu.memory_space<vmem>>[vector<16xi32>], vector<16xf32>,
      %add3A_187 = vector.broadcast %add3A_177 : i32 to vector<16xi32>
      %add3A_188 = arith.addi %add3A_187, %mul3A_154 : vector<16xi32>
      %add3A_189 = arith.constant 2 : i32
      %add3A_190 = vector.broadcast %add3A_189 : i32 to vector<16xi32>
      %add3A_191 = arith.addi %add3A_188, %add3A_190 : vector<16xi32>
      %gather3A_192 = tpu.vector_load_idx %arg8[%cond3A_142#3] : memref<8192xf32, #tpu.memory_space<vmem>>[vector<16xi32>], vector<16xf32>,
      tpu.vector_store_idx %arg12[%add3A_191], %gather3A_192 : memref<12288xf32, #tpu.memory_space<vmem>>[vector<16xi32>], vector<16xf32>,
    }
    %scan3A_42 = arith.constant 128 : i32
    %mul3A_43 = arith.constant 256 : i32
    %mul3A_44 = arith.muli %add3A, %mul3A_43 : i32
    %mul3A_45 = arith.constant 128 : i32
    %mul3A_46 = arith.muli %select_n3A, %mul3A_45 : i32
    %add3A_47 = arith.addi %mul3A_44, %mul3A_46 : i32
    %mul3A_48 = arith.constant 32 : i32
    %mul3A_49 = arith.muli %add3A_47, %mul3A_48 : i32
    "tpu.region"() ({
      %run_scoped3A = tpu.sem_alloc : memref<!tpu.dma_semaphore, #tpu.memory_space<semaphore_mem>>
      %dma_start3A = tpu.memref_slice %arg3[%mul3A_49] : memref<131072xi32, #tpu.memory_space<hbm>> -> memref<4096xi32, #tpu.memory_space<hbm>>
      %dma_start3A_56 = tpu.memref_slice %arg3[%mul3A_49] : memref<131072xi32, #tpu.memory_space<hbm>> -> memref<4096xi32, #tpu.memory_space<hbm>>
      tpu.enqueue_dma source(%arg11 : memref<4096xi32, #tpu.memory_space<vmem>>) target(%dma_start3A_56 : memref<4096xi32, #tpu.memory_space<hbm>>) target_semaphore(%run_scoped3A : memref<!tpu.dma_semaphore, #tpu.memory_space<semaphore_mem>>)
      %dma_wait3A = tpu.memref_slice %arg3[%mul3A_49] : memref<131072xi32, #tpu.memory_space<hbm>> -> memref<4096xi32, #tpu.memory_space<hbm>>
      %dma_wait3A_57 = tpu.memref_slice %arg3[%mul3A_49] : memref<131072xi32, #tpu.memory_space<hbm>> -> memref<4096xi32, #tpu.memory_space<hbm>>
      tpu.wait_dma2 semaphore(%run_scoped3A : memref<!tpu.dma_semaphore, #tpu.memory_space<semaphore_mem>>) src(%arg11 : memref<4096xi32, #tpu.memory_space<vmem>>) dst(%dma_wait3A_57 : memref<4096xi32, #tpu.memory_space<hbm>>)
      tpu.yield
    }) : () -> ()
    %mul3A_50 = arith.constant 32 : i32
    %mul3A_51 = arith.muli %add3A_47, %mul3A_50 : i32
    %mul3A_52 = arith.constant 3 : i32
    %mul3A_53 = arith.muli %mul3A_51, %mul3A_52 : i32
    "tpu.region"() ({
      %run_scoped3A = tpu.sem_alloc : memref<!tpu.dma_semaphore, #tpu.memory_space<semaphore_mem>>
      %dma_start3A = tpu.memref_slice %arg4[%mul3A_53] : memref<393216xf32, #tpu.memory_space<hbm>> -> memref<12288xf32, #tpu.memory_space<hbm>>
      %dma_start3A_56 = tpu.memref_slice %arg4[%mul3A_53] : memref<393216xf32, #tpu.memory_space<hbm>> -> memref<12288xf32, #tpu.memory_space<hbm>>
      tpu.enqueue_dma source(%arg12 : memref<12288xf32, #tpu.memory_space<vmem>>) target(%dma_start3A_56 : memref<12288xf32, #tpu.memory_space<hbm>>) target_semaphore(%run_scoped3A : memref<!tpu.dma_semaphore, #tpu.memory_space<semaphore_mem>>)
      %dma_wait3A = tpu.memref_slice %arg4[%mul3A_53] : memref<393216xf32, #tpu.memory_space<hbm>> -> memref<12288xf32, #tpu.memory_space<hbm>>
      %dma_wait3A_57 = tpu.memref_slice %arg4[%mul3A_53] : memref<393216xf32, #tpu.memory_space<hbm>> -> memref<12288xf32, #tpu.memory_space<hbm>>
      tpu.wait_dma2 semaphore(%run_scoped3A : memref<!tpu.dma_semaphore, #tpu.memory_space<semaphore_mem>>) src(%arg12 : memref<12288xf32, #tpu.memory_space<vmem>>) dst(%dma_wait3A_57 : memref<12288xf32, #tpu.memory_space<hbm>>)
      tpu.yield
    }) : () -> ()
    %eq3A = arith.constant 0 : i32
    %eq3A_54 = arith.cmpi eq, %select_n3A, %eq3A : i32
    %convert_element_type3A = arith.extui %eq3A_54 : i1 to i32
    %cond3A = arith.constant 0 : i32
    %cond3A_55 = arith.cmpi ne, %convert_element_type3A, %cond3A : i32
    scf.if %cond3A_55 {
      %mul3A_56 = arith.constant 256 : i32
      %mul3A_57 = arith.muli %add3A, %mul3A_56 : i32
      %mul3A_58 = arith.constant 3 : i32
      %mul3A_59 = arith.muli %mul3A_57, %mul3A_58 : i32
      "tpu.region"() ({
        %run_scoped3A = tpu.sem_alloc : memref<!tpu.dma_semaphore, #tpu.memory_space<semaphore_mem>>
        %dma_start3A = tpu.memref_slice %arg5[%mul3A_59] : memref<12288xf32, #tpu.memory_space<hbm>> -> memref<768xf32, #tpu.memory_space<hbm>>
        %dma_start3A_60 = tpu.memref_slice %arg5[%mul3A_59] : memref<12288xf32, #tpu.memory_space<hbm>> -> memref<768xf32, #tpu.memory_space<hbm>>
        tpu.enqueue_dma source(%arg10 : memref<768xf32, #tpu.memory_space<vmem>>) target(%dma_start3A_60 : memref<768xf32, #tpu.memory_space<hbm>>) target_semaphore(%run_scoped3A : memref<!tpu.dma_semaphore, #tpu.memory_space<semaphore_mem>>)
        %dma_wait3A = tpu.memref_slice %arg5[%mul3A_59] : memref<12288xf32, #tpu.memory_space<hbm>> -> memref<768xf32, #tpu.memory_space<hbm>>
        %dma_wait3A_61 = tpu.memref_slice %arg5[%mul3A_59] : memref<12288xf32, #tpu.memory_space<hbm>> -> memref<768xf32, #tpu.memory_space<hbm>>
        tpu.wait_dma2 semaphore(%run_scoped3A : memref<!tpu.dma_semaphore, #tpu.memory_space<semaphore_mem>>) src(%arg10 : memref<768xf32, #tpu.memory_space<vmem>>) dst(%dma_wait3A_61 : memref<768xf32, #tpu.memory_space<hbm>>)
        tpu.yield
      }) : () -> ()
    } else {
    }
    return
  }
}

</mosaic_0001>

<sc_bundles>
// kernel: kernel.3.cloned.1.call-start
scs
__scs_entry_jumppad:
0x0: {  	(pc) =	sbr.rel $0x88, $3  }
0x1: {  	(tag) =	ssettag $0x0;
	lr =	simm.s32 $0x1  }
0x2: {  	[smem:$0x3FA0] =	sst lr;
	_ =	strace $0xD0000000  }
0x3: {  	_ = 	snop  }
0x4: {  	_ = 	snop  }
0x5: {  	_ = 	snop  }
0x6: {  	_ = 	snop  }
0x7: {  	_ = 	snop  }
__scs_overlays_trampoline_lowered:
0x8: {  	[smem:$0x3FAF] =	sst s0  }
0x9: {  	[smem:$0x3FB0] =	sst s1  }
0xa: {  	[smem:$0x3FB1] =	sst s2  }
0xb: {  	[smem:$0x3FB2] =	sst s3  }
0xc: {  	[smem:$0x3FB3] =	sst s4  }
0xd: {  	[smem:$0x3FB4] =	sst s5  }
0xe: {  	[smem:$0x3FB5] =	sst s6  }
0xf: {  	[smem:$0x3FB6] =	sst s7  }
0x10: {  	[smem:$0x3FB7] =	sst s8  }
0x11: {  	[smem:$0x3FB8] =	sst s9;
	s0 =	simm.s32 @!p0 $0x0  }
0x12: {  	s1 =	sld [smem:$0x3F9E];
	s0 =	simm.s32 @p0 $0x1  }
0x13: {  	[smem:$0x3FB9] =	sst s0;
	s0 =	simm.s32 @!p1 $0x0  }
0x14: {  	s2 =	sld [smem:$0x3F9D];
	s0 =	simm.s32 @p1 $0x1  }
0x15: {  	[smem:$0x3FBA] =	sst s0;
	s0 =	simm.s32 @!p2 $0x0  }
0x16: {  	s3 =	sld [smem:$0x3FDB];
	s0 =	simm.s32 @p2 $0x1  }
0x17: {  	s4 =	simm.s32 $0x1BF5;
	[smem:$0x3FBC] =	sst s0  }
0x18: {  	s0 =	sld [smem:$0x3F9F];
	_ =	swait.ge [sflag:s4], $0x0  }
0x19: {  	s7 =	sld [smem:$0x3FA0]  }
0x1a: {  	s8 =	sadd.s32 $0xFFFFE003, lr  }
0x1b: {  	s9 =	sadd.s32 $0xFFFFFEF7, lr;
	s5 =	simm.s32 $0xFFFFFFFF;
	p2 =	slt.u32 s8, $0xFFFFF086  }
0x1c: {  	p1 =	slt.u32 s9, $0xF7A;
	s5 =	simm.s32 @!p2 $0x0  }
0x1d: {  	s5 =	simm.s32 @p1 $0x1;
	p0 =	seq.s32 s7, s2  }
0x1e: {  	s7 =	smul.u32 @!p0 $0xF7A, s2;
	p2 =	seq.s32 @!p0 s5, $0x0  }
0x1f: {  	s9 =	smul.u32 $0xF7A, s1;
	s8 =	simm.s32 @!p0 $0x1BF5;
	p2 =	por !p2, p0  }
0x20: {  	[sflag:s8] =	ssyncset.s32 @!p0 $0xFFFFF086;
	s6 =	sadd.s32 @!p0 s3, s7;
	s7 =	simm.s32 @!p0 $0x108  }
0x21: {  	s3 =	sadd.s32 s3, s9;
	s6 =	sadd.s32 @!p0 $0x88, s6;
	s7 =	simm.s32 @p2 $0x1082  }
0x22: {  	[simem:s7], [sflag:s8] =	dma.local @!p0 [hbm:s6], $0xF7A  }
0x23: {  	s9 =	sor.u32 $0xD0000000, s2;
	s6 =	simm.s32 $0x108;
	_ =	swait.ge @!p0 [sflag:s8], $0x0  }
0x24: {  	s3 =	sadd.s32 $0x88, s3;
	s6 =	simm.s32 @!p1 $0x1082;
	[sflag:s4] =	ssyncset.s32 $0xFFFFF086  }
0x25: {  	[simem:s6], [sflag:s4] =	dma.local [hbm:s3], $0xF7A  }
0x26: {  	[smem:$0x3FA0] =	sst s1;
	(tag) =	ssettag s2;
	_ =	strace s9  }
0x27: {  	s1 =	sld [smem:$0x3FB0]  }
0x28: {  	s2 =	sld [smem:$0x3FB1]  }
0x29: {  	s4 =	sld [smem:$0x3FB3]  }
0x2a: {  	p0 =	seq.s32 s5, $0x0;
	s5 =	sld [smem:$0x3FB4]  }
0x2b: {  	s6 =	sld [smem:$0x3FB5]  }
0x2c: {  	s7 =	sld [smem:$0x3FB6]  }
0x2d: {  	s3 =	simm.s32 $0x108;
	s8 =	sld [smem:$0x3FB7]  }
0x2e: {  	s3 =	simm.s32 @!p0 $0x1082;
	s9 =	sld [smem:$0x3FB8]  }
0x2f: {  	lr =	sadd.s32 s0, s3;
	s0 =	sld [smem:$0x3FAF]  }
0x30: {  	s3 =	sld [smem:$0x3FB2]  }
0x31: {  	[smem:$0x3FBB] =	sst s10  }
0x32: {  	s10 =	sld [smem:$0x3FB9];
	_ =	sdelay $0x3  }
0x33: {  	p0 =	seq.s32 s10, $0x1;
	s10 =	sld [smem:$0x3FBB];
	_ =	sdelay $0x3  }
0x34: {  	[smem:$0x3FBB] =	sst s10  }
0x35: {  	s10 =	sld [smem:$0x3FBA];
	_ =	sdelay $0x3  }
0x36: {  	p1 =	seq.s32 s10, $0x1;
	s10 =	sld [smem:$0x3FBB];
	_ =	sdelay $0x3  }
0x37: {  	[smem:$0x3FBB] =	sst s10  }
0x38: {  	s10 =	sld [smem:$0x3FBC]  }
0x39: {  	_ = 	snop;
	(pc) =	sbr.ind lr, $3  }
0x3a: {  	_ = 	snop  }
0x3b: {  	_ = 	snop  }
0x3c: {  	p2 =	seq.s32 s10, $0x1;
	s10 =	sld [smem:$0x3FBB]  }
0x3d: {  	_ =	shalt  }
0x3e: {  	_ =	shalt  }
0x3f: {  	_ =	shalt  }
0x40: {  	_ =	shalt  }
0x41: {  	_ =	shalt  }
0x42: {  	_ =	shalt  }
0x43: {  	_ =	shalt  }
0x44: {  	_ =	shalt  }
0x45: {  	_ =	shalt  }
0x46: {  	_ =	shalt  }
0x47: {  	_ =	shalt  }
0x48: {  	_ =	shalt  }
0x49: {  	_ =	shalt  }
0x4a: {  	_ =	shalt  }
0x4b: {  	_ =	shalt  }
0x4c: {  	_ =	shalt  }
0x4d: {  	_ =	shalt  }
0x4e: {  	_ =	shalt  }
0x4f: {  	_ =	shalt  }
0x50: {  	_ =	shalt  }
0x51: {  	_ =	shalt  }
0x52: {  	_ =	shalt  }
0x53: {  	_ =	shalt  }
0x54: {  	_ =	shalt  }
0x55: {  	_ =	shalt  }
0x56: {  	_ =	shalt  }
0x57: {  	_ =	shalt  }
0x58: {  	_ =	shalt  }
0x59: {  	_ =	shalt  }
0x5a: {  	_ =	shalt  }
0x5b: {  	_ =	shalt  }
0x5c: {  	_ =	shalt  }
0x5d: {  	_ =	shalt  }
0x5e: {  	_ =	shalt  }
0x5f: {  	_ =	shalt  }
0x60: {  	_ =	shalt  }
0x61: {  	_ =	shalt  }
0x62: {  	_ =	shalt  }
0x63: {  	_ =	shalt  }
0x64: {  	_ =	shalt  }
0x65: {  	_ =	shalt  }
0x66: {  	_ =	shalt  }
0x67: {  	_ =	shalt  }
0x68: {  	_ =	shalt  }
0x69: {  	_ =	shalt  }
0x6a: {  	_ =	shalt  }
0x6b: {  	_ =	shalt  }
0x6c: {  	_ =	shalt  }
0x6d: {  	_ =	shalt  }
0x6e: {  	_ =	shalt  }
0x6f: {  	_ =	shalt  }
0x70: {  	_ =	shalt  }
0x71: {  	_ =	shalt  }
0x72: {  	_ =	shalt  }
0x73: {  	_ =	shalt  }
0x74: {  	_ =	shalt  }
0x75: {  	_ =	shalt  }
0x76: {  	_ =	shalt  }
0x77: {  	_ =	shalt  }
0x78: {  	_ =	shalt  }
0x79: {  	_ =	shalt  }
0x7a: {  	_ =	shalt  }
0x7b: {  	_ =	shalt  }
0x7c: {  	_ =	shalt  }
0x7d: {  	_ =	shalt  }
0x7e: {  	_ =	shalt  }
0x7f: {  	_ =	shalt  }
0x80: {  	_ =	shalt  }
0x81: {  	_ =	shalt  }
0x82: {  	_ =	shalt  }
0x83: {  	_ =	shalt  }
0x84: {  	_ =	shalt  }
0x85: {  	_ =	shalt  }
0x86: {  	_ =	shalt  }
0x87: {  	_ =	shalt  }
.Lfunc_end0:
.L_simem_size_0:
called_computation_lowered:
.L_overlay_start_0:
0x88: {  	s2 =	sld [smem:$0x3FD9]  }
0x89: {  	s3 =	sld [smem:$0x3FFE];
	_ =	sdelay $0x1  }
0x8a: {  	s1 =	srdreg.scid  }
0x8b: {  	s0 =	sand.u32 $0x1, s1  }
0x8c: {  	s14 =	sshll.u32 s0, $0xA;
	s2 =	sadd.s32 s3, s2  }
0x8d: {  	s2 =	sadd.s32 s2, s14  }
0x8e: {  	[smem:$0x3FC7] =	sst s2  }
0x8f: {  	_ = 	snop  }
0x90: {  	s2 =	sld [smem:$0x3FD0];
	_ =	sdelay $0x2  }
0x91: {  	s15 =	simm.s32 $0xA;
	s4 =	simm.s32 $0x10  }
0x92: {  	[smem:s4], [sflag:s15] =	dma.local [hbm:s2], $0x1  }
0x93: {  	_ =	swait.eq [sflag:s15], $0x1  }
0x94: {  	s16 =	sld [smem:$0x10];
	[sflag:s15] =	ssyncset.done $0x0  }
0x95: {  	s17 =	sld [smem:$0x11];
	[sflag:s15] =	ssyncadd.s32 $0xFFFFFFFF  }
0x96: {  	s18 =	sld [smem:$0x12];
	(tm) =	ssettm $0x1  }
0x97: {  	s5 =	sld [smem:$0x3FFB];
	_ =	sdelay $0x3  }
0x98: {  	_ =	strace s5  }
0x99: {  	s5 =	sld [smem:$0x3FFC];
	_ =	sdelay $0x3  }
0x9a: {  	_ =	strace s5  }
0x9b: {  	s5 =	sld [smem:$0x3FFD];
	_ =	sdelay $0x3  }
0x9c: {  	_ =	strace s5  }
0x9d: {  	_ =	strace $0x8FFFFFFF  }
0x9e: {  	s19 =	sld [smem:$0x3FDB];
	_ =	sdelay $0x1  }
0x9f: {  	s6 =	simm.s32 $_scs_section_size  }
0xa0: {  	s7 =	simm.s32 $_size__tile_overlayer_lowered;
	s8 =	simm.s32 $_tile_overlayer_lowered  }
0xa1: {  	s22 =	simm.s32 $0x1BFF;
	s21 =	sshll.u32 s8, $0x1;
	s5 =	sadd.s32 s6, s19  }
0xa2: {  	s9 =	simm.s32 $0x0;
	s20 =	sshll.u32 s7, $0x1;
	s7 =	sadd.s32 s21, s5  }
0xa3: {  	[timem:s9], [sflag:s22] =	dma.local [hbm:s7], s20  }
0xa4: {  	_ =	swait.ge [sflag:s22], s20  }
0xa5: {  	s6 =	ssub.s32 $0x0, s20;
	[sflag:s22] =	ssyncset.done $0x0  }
0xa6: {  	[sflag:s22] =	ssyncadd.s32 s6;
	_ =	sdelay $0x1  }
0xa7: {  	s23 =	simm.s32 $0x1B8B  }
0xa8: {  	_ =	swait.ge [sflag:s23], $0x1  }
0xa9: {  	[sflag:s23] =	ssyncset.done $0x0  }
0xaa: {  	s25 =	simm.s32 $0x1B8E;
	s24 =	sld [smem:$0x3FFE];
	[sflag:s23] =	ssyncadd.s32 $0xFFFFFFFF  }
0xab: {  	s26 =	simm.s32 $execute0_lowered;
	[smem:$0x3FD2] =	sst s25  }
0xac: {  	s7 =	sshll.u32 s26, $0x1;
	_ =	strace $0x80000046;
	[dreg:$0x1] =	wrdreg $0xFFFFFFFF  }
0xad: {  	s28 =	simm.s32 $_size_execute0_lowered;
	s5 =	sadd.s32 s5, s7;
	[dreg:$0x0] =	wrdreg $0x0  }
0xae: {  	s7 =	sshll.u32 s28, $0x1;
	[dreg:$0x2] =	wrdreg s5  }
0xaf: {  	[dreg:$0x3] =	wrdreg s7  }
0xb0: {  	[dreg:$0x4] =	wrdreg $0xC0  }
0xb1: {  	_ =	task [dreg:s9], $0x5FFFF  }
0xb2: {  	[dreg:$0x1] =	wrdreg $0xFFFFFFFF  }
0xb3: {  	[dreg:$0x0] =	wrdreg $0x60  }
0xb4: {  	[dreg:$0x2] =	wrdreg s16  }
0xb5: {  	[dreg:$0x3] =	wrdreg s18  }
0xb6: {  	[dreg:$0x4] =	wrdreg s24  }
0xb7: {  	[dreg:$0x5] =	wrdreg s17  }
0xb8: {  	[dreg:$0x6] =	wrdreg $0x9  }
0xb9: {  	_ =	task.clear_ibuf [dreg:s9], $0x7FFFF;
	_ =	strace $0x90000046  }
0xba: {  	s29 =	simm.s32 $0x9;
	_ =	strace $0x80000048  }
0xbb: {  	_ =	swait.ge [sflag:s29], $0x1  }
0xbc: {  	[sflag:s29] =	ssyncadd.s32 $0xFFFFFFFF  }
0xbd: {  	_ =	strace $0x90000048  }
0xbe: {  	_ =	sfence  }
0xbf: {  	s30 =	sld [smem:$0x0];
	_ =	sdelay $0x2  }
0xc0: {  	s31 =	sshll.u32 s1, $0xD;
	s1 =	sshrl.u32 s1, $0x2  }
0xc1: {  	s3 =	sand.u32 $0x4000, s31;
	s1 =	sadd.s32 s1, s30  }
0xc2: {  	s0 =	sor.u32 s3, s0;
	s1 =	sshll.u32 s1, $0x11  }
0xc3: {  	s0 =	sor.u32 s1, s0  }
0xc4: {  	s0 =	sadd.s32 $0x8F2B, s0  }
0xc5: {  	[sflag:s0] =	ssyncadd.remote.s32 $0x1  }
0xc6: {  	_ =	sfence.sel $0xFFFF  }
0xc7: {  	[dreg:$0x0] =	wrdreg $0xFFFFFFFF;
	(pc) =	sbr.abs _section_cstart, $3  }
0xc8: {  	[dreg:$0x1] =	wrdreg $0xFFFFFFFF  }
0xc9: {  	_ =	task.clear_ibuf [dreg:s9], $0x2FFFF;
	_ =	strace $0x9FFFFFFF  }
0xca: {  	(tm) =	ssettm $0x7FFFFFFF  }
0xcb: {  	_ =	shalt  }
tec
execute0_lowered:
.L_overlay_start_1:
0x0: {  	(tag) =	ssettag $0x1  }
0x1: {  	s5 =	rddreg [dreg:$0x0]  }
0x2: {  	s7 =	rddreg [dreg:$0x1]  }
0x3: {  	s1 =	srdreg.scid;
	s8 =	rddreg [dreg:$0x2]  }
0x4: {  	s0 =	stileid.u32;
	s9 =	rddreg [dreg:$0x3];
	s3 =	simm.s32 $0x0  }
0x5: {  	s13 =	simm.s32 $0x4000;
	s14 =	simm.s32 $0x8000;
	s15 =	simm.s32 $0x9300  }
0x6: {  	s17 =	simm.s32 $0x0;
	s4 =	sand.u32 $0x1, s1;
	s2 =	sand.u32 $0x7, s0  }
0x7: {  	s16 =	sshrl.u32 s0, $0x3;
	[smem:$0x7FF] =	sst s3;
	s1 =	sshll.u32 s4, $0x3  }
0x8: {  	s4 =	ssub.s32 $0x2, s4;
	p0 =	sne.s32 s16, $0x0;
	s6 =	sor.u32 s2, s1  }
0x9: {  	s2 =	sshll.u32 s16, $0x7;
	s1 =	sshll.u32 s6, $0x8;
	s12 =	smul.u32 $0x6000, s6  }
0xa: {  	s30 =	sshrl.u32 s4, $0x1;
	s31 =	smul.u32 $0x60, s6;
	s10 =	sor.u32 s2, s1  }
0xb: {  	s16 =	simm.s32 $0x8300;
	s1 =	rddreg [dreg:$0x4];
	s11 =	smul.u32 $0xC, s10  }
.Ltmp0:
0xc: {  	_ =	strace $0x80000047;
	s10 =	sshll.u32 s10, $0x2;
	(pc) =	sbr.rel .LBB2_1-.Ltmp0, $4  }
0xd: {  	v0 =	vlaneseq.u32;
	s12 =	sshrl.u32 s12, $0x3;
	s9 =	sadd.s32 s9, s31;
	s7 =	sadd.s32 s7, s10  }
0xe: {  	v3 =	vmul.u32 $0xFFFFFFFF, v0;
	s8 =	sadd.s32 s11, s8;
	s11 =	ssub.s32 s4, s30;
	s4 =	sadd.s32 s5, s12  }
0xf: {  	v1 =	vimm.f32 $+Inf;
	vm0 =	vcmask $0x3F08;
	vm1 =	vmmov $0x1;
	s12 =	simm.s32 $0x2000;
	s5 =	sadd.s32 $0x400, s4;
	s6 =	sadd.s32 $0x800, s4  }
0x10: {  	v4 =	vimm.f32 $0.0e+00;
	v2 =	vor.u32 $0x10, v0;
	v3 =	vadd.s32 $0xF, v3;
	s8 =	sadd.s32 $0xC00, s8;
	s10 =	smax.u32 s11, $0x1;
	s11 =	simm.s32 $0x1  }
.LBB2_27:
0x11: {  	[hbm4b:s7+s3] =	stream.linear.scatter [tilespmem:s16], [sflag:$0x1], $0x1000, $0x38;
	[tilespmem:$0xC500] =	vst v63  }
0x12: {  	_ =	swait.ge [sflag:s11], $0x1000  }
0x13: {  	[sflag:s11] =	ssyncset.done $0x0  }
0x14: {  	[sflag:s11] =	ssyncadd.s32 $0xFFFFF000  }
0x15: {  	[hbm4b:s8+s3] =	stream.linear.scatter [tilespmem:s15], [sflag:$0x1], $0x3000, $0x38;
	[tilespmem:$0xC500] =	vst v63  }
0x16: {  	_ =	swait.ge [sflag:s11], $0x3000  }
0x17: {  	s18 =	simm.s32 @!p0 $0x0;
	s17 =	sadd.s32 $0x1, s17;
	[sflag:s11] =	ssyncset.done $0x0  }
0x18: {  	s19 =	simm.s32 @!p0 $0x8000;
	p1 =	sne.s32 s17, s10;
	[sflag:s11] =	ssyncadd.s32 $0xFFFFD000  }
0x19: {  	[hbm4b:s9+s18] =	stream.linear.scatter @!p0 [tilespmem:s19], [sflag:$0x1], $0x300, $0x38;
	[tilespmem:$0xC500] =	vst v63  }
.Ltmp1:
0x1a: {  	_ = 	snop;
	(pc) =	sbr.rel @!p1 .LBB2_28-.Ltmp1, $4  }
0x1b: {  	s18 =	simm.s32 @!p0 $0x1  }
0x1c: {  	_ =	swait.ge @!p0 [sflag:s18], $0x300  }
0x1d: {  	[sflag:s18] =	ssyncset.done @!p0 $0x0  }
0x1e: {  	[sflag:s18] =	ssyncadd.s32 @!p0 $0xFFFFFD00  }
.LBB2_1:
0x1f: {  	[tilespmem:s3], [sflag:$0x1] =	stream.linear.gather [hbm4b:s4+s3], $0x2000, $0x38;
	[tilespmem:$0xC500] =	vst v63  }
0x20: {  	_ =	swait.ge [sflag:s11], $0x2000  }
0x21: {  	[sflag:s11] =	ssyncset.done $0x0  }
0x22: {  	[sflag:s11] =	ssyncadd.s32 $0xFFFFE000  }
0x23: {  	[tilespmem:s12], [sflag:$0x1] =	stream.linear.gather [hbm4b:s5+s3], $0x2000, $0x38;
	[tilespmem:$0xC500] =	vst v63  }
0x24: {  	_ =	swait.ge [sflag:s11], $0x2000  }
0x25: {  	[sflag:s11] =	ssyncset.done $0x0  }
0x26: {  	[sflag:s11] =	ssyncadd.s32 $0xFFFFE000  }
0x27: {  	[tilespmem:s13], [sflag:$0x1] =	stream.linear.gather [hbm4b:s6+s3], $0x2000, $0x38;
	[tilespmem:$0xC500] =	vst v63  }
0x28: {  	_ =	swait.ge [sflag:s11], $0x2000  }
0x29: {  	[sflag:s11] =	ssyncset.done $0x0  }
0x2a: {  	s18 =	simm.s32 $0x40;
	s19 =	simm.s32 $0x0;
	[sflag:s11] =	ssyncadd.s32 $0xFFFFE000  }
.LBB2_2:
0x2b: {  	p1 =	sne.s32 s18, $0x7FC0;
	[tilespmem:s19+$0x6000] =	vst v1;
	s19 =	smov.u32 s18;
	s18 =	sadd.s32 $0x40, s18  }
.Ltmp2:
0x2c: {  	(pc) =	sbr.rel @p1 .LBB2_2-.Ltmp2, $2  }
0x2d: {  	_ =	sdelay $0x2  }
0x2e: {  	s19 =	sshra.s32 s19, $0x2  }
0x2f: {  	[tilespmem:s19+$0x6000] =	vst v1;
	s19 =	simm.s32 $0x0;
	s21 =	simm.s32 $0x0;
	s20 =	simm.s32 $0x0  }
.LBB2_4:
0x30: {  	v7 =	vmov s21;
	_ =	sdelay $0x3  }
0x31: {  	s31 =	simm.s32 $0x2000  }
0x32: {  	s18 =	simm.s32 $0x4000;
	v5 =	vld.idx.msk [tilespmem:v7+s31+$0x0], $0xffff  }
0x33: {  	s22 =	smul.u32 $0x3, s20;
	v6 =	vld.idx.msk [tilespmem:v7+s18+$0x0], $0xffff  }
0x34: {  	v7 =	vld.idx.msk [tilespmem:v7+s19+$0x0], $0xffff  }
0x35: {  	v8 =	vadd.s32 s22, v0;
	_ =	sdelay $0x2  }
0x36: {  	v9 =	vsel vm0, v6, v5  }
0x37: {  	v9 =	vsel vm1, v7, v9  }
0x38: {  	[tilespmem:v8+s14+$0x0] =	vst.idx.msk $0x7, v9  }
0x39: {  	v8 =	vld [tilespmem:s19+$0x0]  }
0x3a: {  	v9 =	vld [tilespmem:s31+$0x0];
	_ =	sdelay $0x1  }
0x3b: {  	v10 =	vld [tilespmem:s18+$0x0];
	_ =	sdelay $0x2  }
0x3c: {  	v8 =	vsub.f32 v8, v7;
	v9 =	vsub.f32 v9, v5;
	_ =	sdelay $0x1  }
0x3d: {  	s21 =	simm.s32 $0x6000;
	v10 =	vsub.f32 v10, v6;
	v8 =	vmul.f32 v8, v8;
	v9 =	vmul.f32 v9, v9  }
0x3e: {  	v11 =	vld [tilespmem:s21+$0x0]  }
0x3f: {  	v8 =	vadd.f32 v9, v8;
	v9 =	vmul.f32 v10, v10;
	_ =	sdelay $0x1  }
0x40: {  	v8 =	vadd.f32 v9, v8;
	_ =	sdelay $0x1  }
0x41: {  	v9 =	vimm.f32 $-Inf;
	v8 =	vmin.f32 v11, v8  }
0x42: {  	v12 =	vor.u32 s19, v0;
	s22 =	simm.s32 $0x10;
	v11 =	vimm.s32 $0x0;
	[tilespmem:s21+$0x0] =	vst v8;
	vm2 =	vgt.f32 v8, v9  }
0x43: {  	s23 =	simm.s32 $0x20;
	s24 =	simm.s32 $0x2010;
	s25 =	simm.s32 $0x10;
	v10 =	vld [tilespmem:s22+$0x0];
	v9 =	vsel vm2, v8, v9;
	v8 =	vsel vm2, v12, v11  }
.LBB2_5:
0x44: {  	p1 =	sne.s32 s23, $0x1FF0;
	v11 =	vld [tilespmem:s24+$0x0]  }
0x45: {  	s18 =	sadd.s32 $0x10, s18  }
0x46: {  	v12 =	vld [tilespmem:s18+$0x0];
	_ =	sdelay $0x2  }
0x47: {  	v10 =	vsub.f32 v10, v7;
	v11 =	vsub.f32 v11, v5;
	_ =	sdelay $0x1  }
0x48: {  	s21 =	sadd.s32 $0x10, s21;
	v10 =	vmul.f32 v10, v10;
	v12 =	vsub.f32 v12, v6;
	v11 =	vmul.f32 v11, v11  }
0x49: {  	v13 =	vld [tilespmem:s21+$0x0]  }
0x4a: {  	v10 =	vadd.f32 v11, v10;
	v11 =	vmul.f32 v12, v12;
	_ =	sdelay $0x1  }
.Ltmp3:
0x4b: {  	v10 =	vadd.f32 v11, v10;
	(pc) =	sbr.rel @p1 .LBB2_5-.Ltmp3, $4  }
0x4c: {  	_ = 	snop  }
0x4d: {  	v11 =	vmin.f32 v13, v10  }
0x4e: {  	s25 =	sadd.s32 $0x10, s25;
	v12 =	vor.u32 s22, v0;
	s22 =	smov.u32 s23;
	[tilespmem:s21+$0x0] =	vst v11;
	vm2 =	vgt.f32 v11, v9  }
0x4f: {  	s24 =	sadd.s32 $0x10, s24;
	s23 =	sadd.s32 $0x10, s23;
	v10 =	vld [tilespmem:s25+$0x0];
	v9 =	vsel vm2, v11, v9;
	v8 =	vsel vm2, v12, v8  }
0x50: {  	v11 =	vld [tilespmem:s24+$0x0]  }
0x51: {  	s18 =	sadd.s32 $0x10, s18  }
0x52: {  	v12 =	vld [tilespmem:s18+$0x0];
	_ =	sdelay $0x2  }
0x53: {  	v7 =	vsub.f32 v10, v7;
	v5 =	vsub.f32 v11, v5;
	_ =	sdelay $0x1  }
0x54: {  	s30 =	sadd.s32 $0x10, s21;
	v6 =	vsub.f32 v12, v6;
	v7 =	vmul.f32 v7, v7;
	v5 =	vmul.f32 v5, v5  }
0x55: {  	v62 =	vld [tilespmem:s30+$0x0]  }
0x56: {  	v6 =	vmul.f32 v6, v6;
	v5 =	vadd.f32 v5, v7;
	_ =	sdelay $0x1  }
0x57: {  	v5 =	vadd.f32 v6, v5;
	_ =	sdelay $0x1  }
0x58: {  	v5 =	vmin.f32 v62, v5  }
0x59: {  	vm2 =	vgt.f32 v5, v9  }
0x5a: {  	v6 =	vsel vm2, v5, v9  }
0x5b: {  	(xrf0) =	vmax.scan.msk.f32 $0xffff, v6;
	_ =	sdelay $0x5  }
0x5c: {  	v7, _, _ =	vpop (xrf0)  }
0x5d: {  	v63 =	vor.u32 s22, v0;
	v7 =	vbroadcast v7, $0xF  }
0x5e: {  	v8 =	vsel vm2, v63, v8  }
0x5f: {  	vm2 =	veq.f32 v6, v7;
	v6 =	vxor.u32 $0x80000000, v8  }
0x60: {  	v6 =	vnsel vm2, $0xC0000000, v6  }
0x61: {  	(xrf0) =	vmin.scan.msk.u32 $0xffff, v6;
	_ =	sdelay $0x5  }
0x62: {  	v6, _, _ =	vpop (xrf0)  }
0x63: {  	(v2sf) =	vpush v6, $0xF;
	_ =	sdelay $0x9  }
0x64: {  	s20 =	sadd.s32 $0x1, s20  }
0x65: {  	p1 =	sne.s32 s20, $0x100  }
.Ltmp4:
0x66: {  	_ = 	snop;
	(pc) =	sbr.rel @p1 .LBB2_4-.Ltmp4, $4  }
.Ltmp5:
0x67: {  	_ = 	snop;
	(pc) =	sbr.rel @!p1 .LBB2_7-.Ltmp5, $4  }
0x68: {  	_ = 	snop  }
0x69: {  	s31 =	spop (v2sf)  }
0x6a: {  	s18 =	simm.s32 $0x0;
	[tilespmem:s30+$0x0] =	vst v5;
	s21 =	sxor.u32 $0x80000000, s31  }
0x6b: {  	_ = 	snop  }
.LBB2_29:
0x6c: {  	v6 =	vpsel p1, v5, v5;
	v5 =	vpsel p1, v7, v7  }
.LBB2_26:
0x6d: {  	s19 =	sshll.u32 s18, $0x5  }
0x6e: {  	s19 =	sand.u32 $0x3FFFFFE0, s19  }
0x6f: {  	s20 =	smul.u32 $0x60, s18;
	v7 =	vmul.u32 $0x3, v0;
	[tilespmem:s19+$0x8300] =	vst v6  }
0x70: {  	[tilespmem:s19+$0x8310] =	vst v5  }
0x71: {  	v8 =	vadd.s32 s20, v7;
	v9 =	vld.idx.msk [tilespmem:v6+s3+$0x0], $0xffff;
	_ =	sdelay $0x4  }
0x72: {  	v60 =	vadd.s32 $0x1, v7;
	[tilespmem:v8+s15+$0x0] =	vst.idx.msk $0xffff, v9  }
0x73: {  	v61 =	vadd.s32 s20, v60;
	v10 =	vld.idx.msk [tilespmem:v6+s12+$0x0], $0xffff;
	_ =	sdelay $0x4  }
0x74: {  	v62 =	vadd.s32 $0x2, v7;
	[tilespmem:v61+s15+$0x0] =	vst.idx.msk $0xffff, v10  }
0x75: {  	v63 =	vadd.s32 s20, v62;
	v6 =	vld.idx.msk [tilespmem:v6+s13+$0x0], $0xffff;
	_ =	sdelay $0x4  }
0x76: {  	s31 =	sadd.s32 $0x30, s20;
	[tilespmem:v63+s15+$0x0] =	vst.idx.msk $0xffff, v6  }
0x77: {  	v6 =	vadd.s32 s31, v7;
	v7 =	vld.idx.msk [tilespmem:v5+s3+$0x0], $0xffff;
	_ =	sdelay $0x4  }
0x78: {  	[tilespmem:v6+s15+$0x0] =	vst.idx.msk $0xffff, v7  }
0x79: {  	v6 =	vadd.s32 s31, v60;
	v7 =	vld.idx.msk [tilespmem:v5+s12+$0x0], $0xffff;
	_ =	sdelay $0x4  }
0x7a: {  	s18 =	sadd.s32 $0x1, s18;
	[tilespmem:v6+s15+$0x0] =	vst.idx.msk $0xffff, v7  }
0x7b: {  	p1 =	sne.s32 s18, $0x80;
	v6 =	vadd.s32 s31, v62;
	v5 =	vld.idx.msk [tilespmem:v5+s13+$0x0], $0xffff  }
.Ltmp6:
0x7c: {  	_ = 	snop;
	(pc) =	sbr.rel @!p1 .LBB2_27-.Ltmp6, $2  }
0x7d: {  	_ =	sdelay $0x2  }
0x7e: {  	[tilespmem:v6+s15+$0x0] =	vst.idx.msk $0xffff, v5  }
.LBB2_7:
0x7f: {  	s19 =	sadd.s32 s2, s18  }
0x80: {  	s19 =	smul.u32 $0x3, s19;
	_ =	sdelay $0x1  }
0x81: {  	v5 =	vmov s19;
	_ =	sdelay $0x1  }
0x82: {  	v6 =	vadd.s32 $0x1, v5  }
0x83: {  	v7 =	vadd.s32 $0x2, v5  }
0x84: {  	v8 =	vld [tilespmem:$0x2010]  }
0x85: {  	v9 =	vld.idx.msk [tilespmem:v5+s14+$0x0], $0xffff  }
0x86: {  	v5 =	vld [tilespmem:$0x0]  }
0x87: {  	v10 =	vld.idx.msk [tilespmem:v6+s14+$0x0], $0xffff  }
0x88: {  	v11 =	vld.idx.msk [tilespmem:v7+s14+$0x0], $0xffff  }
0x89: {  	v6 =	vld [tilespmem:$0x2000]  }
0x8a: {  	v7 =	vld [tilespmem:$0x10]  }
0x8b: {  	v12 =	vld [tilespmem:$0x4000]  }
0x8c: {  	v13 =	vld [tilespmem:$0x4010];
	_ =	sdelay $0x1  }
0x8d: {  	v5 =	vsub.f32 v5, v9;
	v6 =	vsub.f32 v6, v10  }
0x8e: {  	v7 =	vsub.f32 v7, v9;
	v8 =	vsub.f32 v8, v10  }
0x8f: {  	v12 =	vsub.f32 v12, v11;
	v5 =	vmul.f32 v5, v5;
	v6 =	vmul.f32 v6, v6  }
0x90: {  	v13 =	vsub.f32 v13, v11;
	v7 =	vmul.f32 v7, v7;
	v8 =	vmul.f32 v8, v8  }
0x91: {  	v5 =	vadd.f32 v6, v5;
	v6 =	vmul.f32 v12, v12  }
0x92: {  	v7 =	vadd.f32 v8, v7;
	v8 =	vmul.f32 v13, v13  }
0x93: {  	v5 =	vadd.f32 v6, v5  }
0x94: {  	v6 =	vadd.f32 v8, v7  }
0x95: {  	(xrf1) =	vsort.ascd.msk.f32 $0xffff, v5, v0  }
0x96: {  	(xrf1) =	vsort.ascd.msk.f32 $0xffff, v6, v2;
	_ =	sdelay $0xc  }
0x97: {  	v5, v6, _ =	vpop (xrf1)  }
0x98: {  	v7, v8, _ =	vpop (xrf1)  }
0x99: {  	v7 =	vperm.xlane v7, v3  }
0x9a: {  	v8 =	vperm.xlane v8, v3  }
0x9b: {  	vm2 =	vle.f32 v5, v7  }
0x9c: {  	v61 =	vsel vm2, v5, v7;
	v62 =	vsel vm2, v6, v8  }
0x9d: {  	v5 =	vsel vm2, v7, v5;
	v6 =	vsel vm2, v8, v6;
	(xrf1) =	vsort.ascd.msk.f32 $0xffff, v61, v62  }
0x9e: {  	(xrf1) =	vsort.ascd.msk.f32 $0xffff, v5, v6;
	_ =	sdelay $0xc  }
0x9f: {  	v6, v5, _ =	vpop (xrf1)  }
0xa0: {  	v8, v7, _ =	vpop (xrf1)  }
0xa1: {  	(xrf0) =	vmax.scan.msk.f32 $0xffff, v8;
	_ =	sdelay $0x5  }
0xa2: {  	v63, _, _ =	vpop (xrf0)  }
0xa3: {  	(v2sf) =	vpush v63, $0xF;
	_ =	sdelay $0xa  }
.Ltmp7:
0xa4: {  	_ = 	snop;
	(pc) =	sbr.rel .LBB2_8-.Ltmp7, $2  }
0xa5: {  	_ =	sdelay $0x2  }
0xa6: {  	s20 =	simm.s32 $0x0;
	s19 =	simm.s32 $0x2;
	s21 =	spop (v2sf)  }
.LBB2_9:
0xa7: {  	v6 =	vpsel p1, v6, v6  }
0xa8: {  	s20 =	smov.u32 @p1 s22;
	v5 =	vpsel p1, v5, v5;
	v8 =	vpsel p1, v8, v8;
	v7 =	vpsel p1, v7, v7;
	s21 =	smov.u32 @p1 s21  }
.LBB2_18:
0xa9: {  	s19 =	sadd.s32 $0x1, s19  }
0xaa: {  	p1 =	sne.s32 s19, $0x200  }
.Ltmp8:
0xab: {  	_ = 	snop;
	(pc) =	sbr.rel @!p1 .LBB2_19-.Ltmp8, $1  }
0xac: {  	_ =	sdelay $0x3  }
.LBB2_8:
0xad: {  	s23 =	sshll.u32 s19, $0x4  }
0xae: {  	v12 =	vld [tilespmem:s23+$0x0]  }
0xaf: {  	v13 =	vld [tilespmem:s23+$0x2000];
	_ =	sdelay $0x1  }
0xb0: {  	v14 =	vld [tilespmem:s23+$0x4000];
	_ =	sdelay $0x2  }
0xb1: {  	v12 =	vsub.f32 v12, v9;
	v13 =	vsub.f32 v13, v10;
	_ =	sdelay $0x1  }
0xb2: {  	v14 =	vsub.f32 v14, v11;
	v12 =	vmul.f32 v12, v12;
	v13 =	vmul.f32 v13, v13;
	_ =	sdelay $0x1  }
0xb3: {  	v62 =	vmul.f32 v14, v14;
	v12 =	vadd.f32 v13, v12;
	_ =	sdelay $0x1  }
0xb4: {  	v12 =	vadd.f32 v62, v12;
	_ =	sdelay $0x1  }
0xb5: {  	vm2 =	vlt.f32 v12, s21  }
0xb6: {  	v63 =	vsel vm2, $0x3F800000, v4  }
0xb7: {  	(xrf0) =	vmax.scan.msk.f32 $0xffff, v63;
	_ =	sdelay $0x5  }
0xb8: {  	v13, _, _ =	vpop (xrf0)  }
0xb9: {  	(v2sf) =	vpush v13, $0xF;
	_ =	sdelay $0xe  }
0xba: {  	s22 =	spop (v2sf)  }
0xbb: {  	p1 =	sgt.f32 s22, $0.0e+00  }
0xbc: {  	v13 =	vmov s21  }
0xbd: {  	vm2 =	vlt.f32 @p1 v12, v13;
	v13 =	vimm.s32 @p1 $0x0  }
0xbe: {  	v13 =	vsel @p1 vm2, $0x1, v13  }
0xbf: {  	(xrf0) =	vadd.scan.msk.s32 @p1 $0xffff, v13;
	_ =	sdelay $0x5  }
0xc0: {  	v13, _, _ =	vpop @p1 (xrf0)  }
0xc1: {  	(v2sf) =	vpush @p1 v13, $0xF;
	_ =	sdelay $0xc  }
0xc2: {  	v14 =	vmov @p1 s20  }
0xc3: {  	v14 =	vadd.s32 @p1 $0xFFFFFFFF, v14  }
0xc4: {  	v14 =	vbroadcast @p1 v14, $0x0;
	s22 =	spop @p1 (v2sf)  }
0xc5: {  	s22 =	sadd.s32 @p1 s20, s22  }
0xc6: {  	v13 =	vadd.s32 @p1 v13, v14;
	p2 =	slt.s32 @p1 s22, $0x70  }
0xc7: {  	p2 =	por !p1, p2  }
.Ltmp9:
0xc8: {  	_ = 	snop;
	(pc) =	sbr.rel @p2 .LBB2_9-.Ltmp9, $4  }
0xc9: {  	_ = 	snop  }
0xca: {  	s24 =	simm.s32 @p1 $0xC300;
	v14 =	vlaneseq.u32 @p1  }
0xcb: {  	[tilespmem:v13+s24+$0x0] =	vst.idx.msk @p1 vm2, v12;
	v12 =	vor.u32 @p1 s23, v14;
	s23 =	simm.s32 @p1 $0xC400  }
0xcc: {  	[tilespmem:v13+s23+$0x0] =	vst.idx.msk @p1 vm2, v12  }
0xcd: {  	s20 =	sadd.s32 $0xF, s22  }
0xce: {  	s21 =	sand.u32 $0xF, s20  }
0xcf: {  	s23 =	sshra.s32 s20, $0x1F;
	p1 =	slt.s32 s20, $0x0;
	p2 =	sne.s32 s21, $0x0  }
0xd0: {  	s31 =	sshrl.u32 s23, $0x1C;
	p1 =	por !p1, !p2  }
0xd1: {  	s21 =	simm.s32 $0x1;
	s20 =	sadd.s32 s31, s20;
	p1 =	por !p1, !p1  }
0xd2: {  	s20 =	sshra.s32 s20, $0x4;
	s21 =	simm.s32 @!p1 $0x0  }
0xd3: {  	s20 =	ssub.s32 s20, s21  }
0xd4: {  	p1 =	slt.s32 s20, $0x1  }
.Ltmp10:
0xd5: {  	_ = 	snop;
	(pc) =	sbr.rel @p1 .LBB2_17-.Ltmp10, $1  }
0xd6: {  	_ =	sdelay $0x3  }
0xd7: {  	s21 =	simm.s32 $0xC300  }
0xd8: {  	s23 =	simm.s32 $0xC400;
	v12 =	vld [tilespmem:s21+$0x0]  }
0xd9: {  	p2 =	sne.s32 s20, $0x1;
	v13 =	vld [tilespmem:s23+$0x0]  }
.Ltmp11:
0xda: {  	_ = 	snop;
	(pc) =	sbr.rel @!p2 .LBB2_12-.Ltmp11, $4  }
0xdb: {  	v14 =	vmov s22  }
0xdc: {  	vm2 =	vgt.s32 v14, v0  }
0xdd: {  	v12 =	vnsel vm2, $0x7F800000, v12  }
0xde: {  	p1 =	por $0x0, $0x0;
	s23 =	sadd.s32 $0xFFFFFFFF, s20;
	(xrf1) =	vsort.ascd.msk.f32 $0xffff, v12, v13  }
0xdf: {  	_ =	sdelay $0xb  }
0xe0: {  	s20 =	simm.s32 $0xC310  }
0xe1: {  	v14 =	vld [tilespmem:s20+$0x0];
	v12, v13, _ =	vpop (xrf1)  }
0xe2: {  	v12 =	vperm.xlane v12, v3  }
0xe3: {  	s21 =	simm.s32 $0xC410;
	s22 =	sadd.s32 $0xFFFFFFF0, s22;
	v13 =	vperm.xlane v13, v3  }
0xe4: {  	p2 =	sne.s32 s23, $0x1;
	v15 =	vld [tilespmem:s21+$0x0];
	v16 =	vmov s22;
	vm2 =	vle.f32 v8, v12  }
.Ltmp12:
0xe5: {  	v12 =	vsel vm2, v8, v12;
	v13 =	vsel vm2, v7, v13;
	vm2 =	vgt.s32 v16, v0;
	(pc) =	sbr.rel @!p2 .LBB2_14-.Ltmp12, $2  }
0xe6: {  	(xrf1) =	vsort.ascd.msk.f32 $0xffff, v12, v13;
	v12 =	vnsel vm2, $0x7F800000, v14;
	_ =	sdelay $0x2  }
0xe7: {  	s23 =	sadd.s32 $0xFFFFFFFF, s23;
	p1 =	por $0x1, $0x1;
	(xrf1) =	vsort.ascd.msk.f32 $0xffff, v12, v15;
	v13 =	vmov v6;
	v12 =	vmov v5  }
.LBB2_15:
0xe8: {  	_ = 	snop  }
0xe9: {  	p2 =	sne.s32 s23, $0x1;
	s23 =	sadd.s32 $0xFFFFFFFF, s23;
	_ =	sdelay $0x8  }
0xea: {  	v14, v15, _ =	vpop (xrf1)  }
0xeb: {  	v14 =	vperm.xlane v14, v3  }
0xec: {  	v15 =	vperm.xlane v15, v3  }
0xed: {  	v16, v17, _ =	vpop (xrf1);
	vm2 =	vle.f32 v13, v14  }
0xee: {  	v16 =	vperm.xlane v16, v3;
	v18 =	vsel vm2, v14, v13;
	v19 =	vsel vm2, v15, v12  }
0xef: {  	v13 =	vsel vm2, v13, v14;
	v12 =	vsel vm2, v12, v15;
	(xrf1) =	vsort.ascd.msk.f32 $0xffff, v18, v19  }
0xf0: {  	(xrf1) =	vsort.ascd.msk.f32 $0xffff, v13, v12;
	_ =	sdelay $0xb  }
0xf1: {  	s20 =	sadd.s32 $0x10, s20  }
0xf2: {  	s21 =	sadd.s32 $0x10, s21;
	v15 =	vperm.xlane v17, v3;
	v14 =	vld [tilespmem:s20+$0x0];
	v17, v18, _ =	vpop (xrf1)  }
0xf3: {  	v19 =	vld [tilespmem:s21+$0x0];
	vm2 =	vle.f32 v17, v16;
	v13, v12, _ =	vpop (xrf1)  }
.Ltmp13:
0xf4: {  	s22 =	sadd.s32 $0xFFFFFFF0, s22;
	v16 =	vsel vm2, v17, v16;
	v15 =	vsel vm2, v18, v15;
	(pc) =	sbr.rel @p2 .LBB2_15-.Ltmp13, $4  }
0xf5: {  	v17 =	vmov s22;
	(xrf1) =	vsort.ascd.msk.f32 $0xffff, v16, v15  }
0xf6: {  	vm2 =	vgt.s32 v17, v0  }
0xf7: {  	v14 =	vnsel vm2, $0x7F800000, v14  }
0xf8: {  	(xrf1) =	vsort.ascd.msk.f32 $0xffff, v14, v19  }
.LBB2_16:
0xf9: {  	_ =	sdelay $0x9  }
0xfa: {  	v14, v15, _ =	vpop @p1 (xrf1)  }
0xfb: {  	v14 =	vperm.xlane @p1 v14, v3  }
0xfc: {  	v15 =	vperm.xlane @p1 v15, v3  }
0xfd: {  	vm2 =	vle.f32 @p1 v13, v14  }
0xfe: {  	v16 =	vsel @p1 vm2, v14, v13;
	v17 =	vsel @p1 vm2, v15, v12  }
0xff: {  	(xrf1) =	vsort.ascd.msk.f32 @p1 $0xffff, v16, v17;
	_ =	sdelay $0xc  }
0x100: {  	v16, v17, _ =	vpop (xrf1)  }
0x101: {  	v16 =	vperm.xlane v16, v3;
	v18, v19, _ =	vpop @p1 (xrf1)  }
0x102: {  	v13 =	vsel @p1 vm2, v13, v14;
	v63 =	vperm.xlane v17, v3;
	v8 =	vpsel p1, v18, v8  }
0x103: {  	v12 =	vsel @p1 vm2, v12, v15;
	v7 =	vpsel p1, v19, v7;
	vm2 =	vle.f32 v8, v16  }
0x104: {  	(xrf1) =	vsort.ascd.msk.f32 @p1 $0xffff, v13, v12;
	v8 =	vsel vm2, v8, v16;
	v7 =	vsel vm2, v7, v63  }
0x105: {  	(xrf1) =	vsort.ascd.msk.f32 $0xffff, v8, v7;
	_ =	sdelay $0xc  }
0x106: {  	v7, v8, _ =	vpop @p1 (xrf1)  }
0x107: {  	v12, v13, _ =	vpop (xrf1)  }
0x108: {  	v12 =	vperm.xlane v12, v3  }
0x109: {  	v6 =	vpsel p1, v7, v6;
	v7 =	vperm.xlane v13, v3  }
0x10a: {  	v5 =	vpsel p1, v8, v5;
	vm2 =	vle.f32 v6, v12  }
0x10b: {  	v8 =	vsel vm2, v12, v6;
	v13 =	vsel vm2, v7, v5  }
0x10c: {  	v6 =	vsel vm2, v6, v12;
	v5 =	vsel vm2, v5, v7;
	(xrf1) =	vsort.ascd.msk.f32 $0xffff, v8, v13  }
0x10d: {  	(xrf1) =	vsort.ascd.msk.f32 $0xffff, v6, v5;
	_ =	sdelay $0xc  }
0x10e: {  	v8, v7, _ =	vpop (xrf1)  }
0x10f: {  	v6, v5, _ =	vpop (xrf1)  }
.LBB2_17:
0x110: {  	(xrf0) =	vmax.scan.msk.f32 $0xffff, v8;
	_ =	sdelay $0x5  }
0x111: {  	v12, _, _ =	vpop (xrf0)  }
0x112: {  	(v2sf) =	vpush v12, $0xF;
	_ =	sdelay $0xa  }
.Ltmp14:
0x113: {  	_ = 	snop;
	(pc) =	sbr.rel .LBB2_18-.Ltmp14, $2  }
0x114: {  	_ =	sdelay $0x2  }
0x115: {  	s20 =	simm.s32 $0x0;
	s21 =	spop (v2sf)  }
.LBB2_12:
.Ltmp15:
0x116: {  	(pc) =	sbr.rel .LBB2_16-.Ltmp15, $2  }
0x117: {  	_ =	sdelay $0x2  }
0x118: {  	v13 =	vmov v6;
	v12 =	vmov v5  }
.LBB2_14:
.Ltmp16:
0x119: {  	(pc) =	sbr.rel .LBB2_16-.Ltmp16, $2  }
0x11a: {  	_ =	sdelay $0x2  }
0x11b: {  	v13 =	vmov v6;
	v12 =	vmov v5  }
.LBB2_19:
0x11c: {  	p1 =	slt.s32 s20, $0x1  }
0x11d: {  	s19 =	sadd.s32 @!p1 $0xF, s20  }
0x11e: {  	s21 =	sand.u32 @!p1 $0xF, s19  }
0x11f: {  	p2 =	slt.s32 @!p1 s19, $0x0;
	p3 =	sne.s32 @!p1 s21, $0x0  }
0x120: {  	s21 =	sshra.s32 @!p1 s19, $0x1F;
	p2 =	por @!p1 !p2, !p3  }
0x121: {  	s21 =	sshrl.u32 @!p1 s21, $0x1C;
	p2 =	por @!p1 !p2, !p2  }
0x122: {  	s19 =	sadd.s32 @!p1 s21, s19;
	s21 =	simm.s32 @!p1 $0x1;
	p2 =	por !p2, p1  }
0x123: {  	s19 =	sshra.s32 @!p1 s19, $0x4;
	s21 =	simm.s32 @p2 $0x0  }
0x124: {  	s19 =	ssub.s32 @!p1 s19, s21  }
0x125: {  	p2 =	slt.s32 @!p1 s19, $0x1  }
0x126: {  	p2 =	por p1, p2  }
.Ltmp17:
0x127: {  	_ = 	snop;
	(pc) =	sbr.rel @p2 .LBB2_29-.Ltmp17, $1  }
0x128: {  	_ =	sdelay $0x3  }
0x129: {  	s22 =	simm.s32 @!p1 $0xC300  }
0x12a: {  	s21 =	simm.s32 @!p1 $0xC400;
	v9 =	vld [tilespmem:s22+$0x0]  }
0x12b: {  	p2 =	sne.s32 s19, $0x1;
	v10 =	vld [tilespmem:s21+$0x0]  }
.Ltmp18:
0x12c: {  	_ = 	snop;
	(pc) =	sbr.rel @!p2 .LBB2_21-.Ltmp18, $4  }
0x12d: {  	v11 =	vmov s20  }
0x12e: {  	vm2 =	vgt.s32 v11, v0  }
0x12f: {  	v9 =	vnsel vm2, $0x7F800000, v9  }
0x130: {  	p1 =	por $0x0, $0x0;
	s22 =	sadd.s32 $0xFFFFFFFF, s19;
	(xrf1) =	vsort.ascd.msk.f32 $0xffff, v9, v10  }
0x131: {  	_ =	sdelay $0xb  }
0x132: {  	s19 =	simm.s32 $0xC310  }
0x133: {  	v11 =	vld [tilespmem:s19+$0x0];
	v9, v10, _ =	vpop (xrf1)  }
0x134: {  	v9 =	vperm.xlane v9, v3  }
0x135: {  	s21 =	simm.s32 $0xC410;
	s20 =	sadd.s32 $0xFFFFFFF0, s20;
	v10 =	vperm.xlane v10, v3  }
0x136: {  	p2 =	sne.s32 s22, $0x1;
	v12 =	vld [tilespmem:s21+$0x0];
	v13 =	vmov s20;
	vm2 =	vle.f32 v8, v9  }
.Ltmp19:
0x137: {  	v9 =	vsel vm2, v8, v9;
	v10 =	vsel vm2, v7, v10;
	vm2 =	vgt.s32 v13, v0;
	(pc) =	sbr.rel @!p2 .LBB2_23-.Ltmp19, $2  }
0x138: {  	(xrf1) =	vsort.ascd.msk.f32 $0xffff, v9, v10;
	v9 =	vnsel vm2, $0x7F800000, v11;
	_ =	sdelay $0x2  }
0x139: {  	s22 =	sadd.s32 $0xFFFFFFFF, s22;
	p1 =	por $0x1, $0x1;
	(xrf1) =	vsort.ascd.msk.f32 $0xffff, v9, v12;
	v10 =	vmov v6;
	v9 =	vmov v5  }
.LBB2_24:
0x13a: {  	_ = 	snop  }
0x13b: {  	p2 =	sne.s32 s22, $0x1;
	s22 =	sadd.s32 $0xFFFFFFFF, s22;
	_ =	sdelay $0x8  }
0x13c: {  	v11, v12, _ =	vpop (xrf1)  }
0x13d: {  	v11 =	vperm.xlane v11, v3  }
0x13e: {  	v12 =	vperm.xlane v12, v3  }
0x13f: {  	v13, v14, _ =	vpop (xrf1);
	vm2 =	vle.f32 v10, v11  }
0x140: {  	v13 =	vperm.xlane v13, v3;
	v15 =	vsel vm2, v11, v10;
	v16 =	vsel vm2, v12, v9  }
0x141: {  	v10 =	vsel vm2, v10, v11;
	v9 =	vsel vm2, v9, v12;
	(xrf1) =	vsort.ascd.msk.f32 $0xffff, v15, v16  }
0x142: {  	(xrf1) =	vsort.ascd.msk.f32 $0xffff, v10, v9;
	_ =	sdelay $0xb  }
0x143: {  	s19 =	sadd.s32 $0x10, s19  }
0x144: {  	s21 =	sadd.s32 $0x10, s21;
	v12 =	vperm.xlane v14, v3;
	v11 =	vld [tilespmem:s19+$0x0];
	v14, v15, _ =	vpop (xrf1)  }
0x145: {  	v16 =	vld [tilespmem:s21+$0x0];
	vm2 =	vle.f32 v14, v13;
	v10, v9, _ =	vpop (xrf1)  }
.Ltmp20:
0x146: {  	s20 =	sadd.s32 $0xFFFFFFF0, s20;
	v13 =	vsel vm2, v14, v13;
	v12 =	vsel vm2, v15, v12;
	(pc) =	sbr.rel @p2 .LBB2_24-.Ltmp20, $4  }
0x147: {  	v14 =	vmov s20;
	(xrf1) =	vsort.ascd.msk.f32 $0xffff, v13, v12  }
0x148: {  	vm2 =	vgt.s32 v14, v0  }
0x149: {  	v11 =	vnsel vm2, $0x7F800000, v11  }
0x14a: {  	(xrf1) =	vsort.ascd.msk.f32 $0xffff, v11, v16  }
.LBB2_25:
0x14b: {  	_ =	sdelay $0x9  }
0x14c: {  	v11, v12, _ =	vpop @p1 (xrf1)  }
0x14d: {  	v11 =	vperm.xlane @p1 v11, v3  }
0x14e: {  	v12 =	vperm.xlane @p1 v12, v3  }
0x14f: {  	vm2 =	vle.f32 @p1 v10, v11  }
0x150: {  	v13 =	vsel @p1 vm2, v11, v10;
	v14 =	vsel @p1 vm2, v12, v9  }
0x151: {  	(xrf1) =	vsort.ascd.msk.f32 @p1 $0xffff, v13, v14;
	_ =	sdelay $0xc  }
0x152: {  	v13, v14, _ =	vpop (xrf1)  }
0x153: {  	v13 =	vperm.xlane v13, v3;
	v15, v16, _ =	vpop @p1 (xrf1)  }
0x154: {  	v10 =	vsel @p1 vm2, v10, v11;
	v63 =	vperm.xlane v14, v3;
	v8 =	vpsel p1, v15, v8  }
0x155: {  	v9 =	vsel @p1 vm2, v9, v12;
	v7 =	vpsel p1, v16, v7;
	vm2 =	vle.f32 v8, v13  }
0x156: {  	(xrf1) =	vsort.ascd.msk.f32 @p1 $0xffff, v10, v9;
	v8 =	vsel vm2, v8, v13;
	v7 =	vsel vm2, v7, v63  }
0x157: {  	(xrf1) =	vsort.ascd.msk.f32 $0xffff, v8, v7;
	_ =	sdelay $0xc  }
0x158: {  	v7, v8, _ =	vpop @p1 (xrf1)  }
0x159: {  	v9, v10, _ =	vpop (xrf1)  }
0x15a: {  	v9 =	vperm.xlane v9, v3  }
0x15b: {  	v6 =	vpsel p1, v7, v6;
	v7 =	vperm.xlane v10, v3  }
0x15c: {  	v5 =	vpsel p1, v8, v5;
	vm2 =	vle.f32 v6, v9  }
0x15d: {  	v8 =	vsel vm2, v9, v6;
	v10 =	vsel vm2, v7, v5  }
0x15e: {  	(xrf1) =	vsort.ascd.msk.f32 $0xffff, v8, v10  }
0x15f: {  	v6 =	vsel vm2, v6, v9;
	v5 =	vsel vm2, v5, v7  }
0x160: {  	(xrf1) =	vsort.ascd.msk.f32 $0xffff, v6, v5;
	_ =	sdelay $0x9  }
.Ltmp21:
0x161: {  	_ = 	snop;
	(pc) =	sbr.rel .LBB2_26-.Ltmp21, $3  }
0x162: {  	_ = 	snop  }
0x163: {  	v6, v5, _ =	vpop (xrf1);
	_ =	sdelay $0x1  }
0x164: {  	v7, v6, _ =	vpop (xrf1)  }
.LBB2_21:
.Ltmp22:
0x165: {  	(pc) =	sbr.rel .LBB2_25-.Ltmp22, $2  }
0x166: {  	_ =	sdelay $0x2  }
0x167: {  	v10 =	vmov v6;
	v9 =	vmov v5  }
.LBB2_23:
.Ltmp23:
0x168: {  	(pc) =	sbr.rel .LBB2_25-.Ltmp23, $2  }
0x169: {  	_ =	sdelay $0x2  }
0x16a: {  	v10 =	vmov v6;
	v9 =	vmov v5  }
.LBB2_28:
0x16b: {  	_ =	sfence.sel $0x180000  }
0x16c: {  	[bflag:$0x0] =	sbarrier.arrive $0xFFFF  }
0x16d: {  	p0 =	sne.s32 s0, $0x0;
	_ =	strace $0x90000047  }
0x16e: {  	s0 =	sadd.s32 @!p0 $0x100000, s1;
	[bflag:$0x2] =	sbarrier.arrive $0xFFFF  }
0x16f: {  	[sflag:s0] =	ssyncadd.tile.s32 @!p0 $0x1;
	_ =	shalt  }
.Lfunc_end2:
_tile_overlayer_lowered:
.L_overlay_start_2:
0x170: {  	(tag) =	ssettag $0x2  }
0x171: {  	s0 =	rddreg [dreg:$0x0];
	s2 =	stileid.u32  }
0x172: {  	s1 =	rddreg [dreg:$0x1];
	p0 =	sne.s32 s2, $0x0  }
0x173: {  	s3 =	rddreg [dreg:$0x2];
	[bflag:$0x3] =	sbarrier.arrive $0xFFFF;
	s2 =	simm.s32 @!p0 $0x1C01  }
0x174: {  	[timem:s3], [sflag:s2] =	dma.local @!p0 [hbm:s0], s1  }
0x175: {  	s0 =	simm.s32 @!p0 $0x1  }
0x176: {  	_ =	swait.ge @!p0 [sflag:s0], s1  }
0x177: {  	s1 =	ssub.s32 @!p0 $0x0, s1;
	[sflag:s0] =	ssyncset.done @!p0 $0x0  }
0x178: {  	[sflag:s0] =	ssyncadd.s32 @!p0 s1  }
0x179: {  	[bflag:$0x3] =	sbarrier.arrive $0xFFFF  }
0x17a: {  	_ =	shalt  }

</sc_bundles>
